<compile_context>
chip_gen: v7x
topology: tpu7x:2x2x1
jax: 0.10.2.dev20260603
libtpu: 0.0.44.dev20260713+nightly
codegen_flags: <defaults>
</compile_context>

<pallas_src>
import jax
import jax.numpy as jnp
from jax import lax
from jax.experimental import pallas as pl
from jax.experimental.pallas import tpu as pltpu
from jax.experimental.pallas import tpu_sc as plsc

B = 8
L = 4096
D = 128
MAX_OPS = 64
LANES = 16
NCHUNK = D // LANES

_OP_IDENTITY = 2
_OP_CANCEL_START = 3
_OP_CANCEL_END = 4
_OP_STAR_ZERO = 5

_LOG2_2_OVER_LN2 = 2.8853900817779268
_SQRT2 = 1.4142135623730951


def _log2_pos(x):
    bits = lax.bitcast_convert_type(x, jnp.int32)
    e = (bits >> 23) - 127
    m = lax.bitcast_convert_type(
        (bits & jnp.int32(0x007FFFFF)) | jnp.int32(0x3F800000), jnp.float32)
    big = m >= _SQRT2
    m = jnp.where(big, m * 0.5, m)
    e = jnp.where(big, e + 1, e)
    t = (m - 1.0) / (m + 1.0)
    t2 = t * t
    p = 1.0 + t2 * (1.0 / 3.0 + t2 * (1.0 / 5.0 + t2 * (1.0 / 7.0 + t2 * (1.0 / 9.0))))
    return e.astype(jnp.float32) + t * p * _LOG2_2_OVER_LN2


def _row_chunks(ref, j):
    return [ref[j, pl.ds(c * LANES, LANES)] for c in range(NCHUNK)]


def _entropy_from_chunks(chunks):
    sq = [x * x for x in chunks]
    e_vec = sq[0]
    for s in sq[1:]:
        e_vec = e_vec + s
    energy = jnp.sum(e_vec)
    inv = 1.0 / (jnp.broadcast_to(energy, (LANES,)) + 1e-9)
    h_vec = jnp.zeros((LANES,), jnp.float32)
    for s in sq:
        p = s * inv
        h_vec = h_vec + p * _log2_pos(p + 1e-9)
    return -jnp.sum(h_vec)


def _sc_body(states_hbm, ot_hbm, bp_hbm, ap_hbm, n_hbm, out_hbm,
             ot_v, bp_v, ap_v, n_v, idx_v, rows, out_v, sem):
    nc = 2
    wid = lax.axis_index("s") * nc + lax.axis_index("c")
    b = wid // 4
    i_base = (wid % 4) * LANES

    pltpu.async_copy(ot_hbm.at[b], ot_v, sem)
    pltpu.async_copy(bp_hbm.at[b], bp_v, sem)
    pltpu.async_copy(ap_hbm.at[b], ap_v, sem)
    cpm = pltpu.async_copy(n_hbm, n_v, sem)
    pltpu.make_async_copy(ot_hbm.at[b], ot_v, sem).wait()
    pltpu.make_async_copy(bp_hbm.at[b], bp_v, sem).wait()
    pltpu.make_async_copy(ap_hbm.at[b], ap_v, sem).wait()
    cpm.wait()

    lanes = lax.iota(jnp.int32, LANES)
    i_vec = i_base + lanes
    i_next = jnp.minimum(i_vec + 1, MAX_OPS - 1)
    ot = ot_v[pl.ds(i_base, LANES)]
    bp = bp_v[pl.ds(i_base, LANES)]
    ap = ap_v[pl.ds(i_base, LANES)]
    ot_nx = plsc.load_gather(ot_v, [i_next])
    ap_nx = plsc.load_gather(ap_v, [i_next])
    n_vec = plsc.load_gather(n_v, [jnp.full((LANES,), b, jnp.int32)])

    base = b * L
    idx_v[pl.ds(0, LANES)] = base + jnp.clip(bp, 0, L - 1)
    idx_v[pl.ds(LANES, LANES)] = base + jnp.clip(ap, 0, L - 1)
    idx_v[pl.ds(2 * LANES, LANES)] = base + jnp.clip(ap_nx, 0, L - 1)
    cp = pltpu.async_copy(states_hbm.at[idx_v], rows, sem)

    active = i_vec < n_vec
    valid = (bp >= 0) & (bp < L) & (ap >= 0) & (ap < L)
    act = active & valid
    is_id = act & (ot == _OP_IDENTITY)
    pair = (act & (ot == _OP_CANCEL_START) & (i_vec + 1 < n_vec)
            & (ot_nx == _OP_CANCEL_END))
    pair_valid = pair & (ap_nx < L)
    is_sz = act & (ot == _OP_STAR_ZERO)

    id_f = jnp.where(is_id, 1.0, 0.0).astype(jnp.float32)
    pa_f = jnp.where(pair_valid, 1.0, 0.0).astype(jnp.float32)
    sz_f = jnp.where(is_sz, 1.0, 0.0).astype(jnp.float32)
    n_id = jnp.sum(id_f)
    n_ca = jnp.sum(pa_f)
    n_co = jnp.sum(sz_f)

    cp.wait()

    def body(j, carry):
        lane = lanes == j
        w_id = jnp.sum(jnp.where(lane, id_f, 0.0))
        w_pa = jnp.sum(jnp.where(lane, pa_f, 0.0))
        w_sz = jnp.sum(jnp.where(lane, sz_f, 0.0))

        def compute(c):
            id_sum, ca_sum, co_sum = c
            sb = _row_chunks(rows, j)
            sa = _row_chunks(rows, LANES + j)

            def with_mse(vals):
                i_s, c_s = vals
                sp = _row_chunks(rows, 2 * LANES + j)
                acc1 = jnp.zeros((LANES,), jnp.float32)
                acc2 = jnp.zeros((LANES,), jnp.float32)
                for k in range(NCHUNK):
                    d1 = sa[k] - sb[k]
                    d2 = sp[k] - sb[k]
                    acc1 = acc1 + d1 * d1
                    acc2 = acc2 + d2 * d2
                return (i_s + w_id * (jnp.sum(acc1) * (1.0 / D)),
                        c_s + w_pa * (jnp.sum(acc2) * (1.0 / D)))

            id_sum, ca_sum = lax.cond(
                w_id + w_pa > 0.0, with_mse, lambda v: v, (id_sum, ca_sum))

            def with_ent(c_s):
                h_a = _entropy_from_chunks(sa)
                h_b = _entropy_from_chunks(sb)
                return c_s + w_sz * jnp.maximum(h_a - h_b + 0.5, 0.0)

            co_sum = lax.cond(w_sz > 0.0, with_ent, lambda v: v, co_sum)
            return (id_sum, ca_sum, co_sum)

        return lax.cond(w_id + w_pa + w_sz > 0.0, compute, lambda c: c, carry)

    id_sum, ca_sum, co_sum = lax.fori_loop(
        0, LANES, body,
        (jnp.float32(0.0), jnp.float32(0.0), jnp.float32(0.0)))

    out = jnp.where(lanes == 0, id_sum,
          jnp.where(lanes == 1, ca_sum,
          jnp.where(lanes == 2, co_sum,
          jnp.where(lanes == 3, n_id,
          jnp.where(lanes == 4, n_ca,
          jnp.where(lanes == 5, n_co, 0.0))))))
    out_v[...] = out.astype(jnp.float32)
    pltpu.sync_copy(out_v, out_hbm.at[wid])


@jax.jit
def _run(states_flat, ot, bp, ap, n_ops):
    mesh = plsc.VectorSubcoreMesh(core_axis_name="c", subcore_axis_name="s")
    partials = pl.kernel(
        _sc_body,
        mesh=mesh,
        compiler_params=pltpu.CompilerParams(needs_layout_passes=False),
        out_type=jax.ShapeDtypeStruct((32, LANES), jnp.float32),
        scratch_types=[
            pltpu.VMEM((MAX_OPS,), jnp.int32),
            pltpu.VMEM((MAX_OPS,), jnp.int32),
            pltpu.VMEM((MAX_OPS,), jnp.int32),
            pltpu.VMEM((B,), jnp.int32),
            pltpu.VMEM((3 * LANES,), jnp.int32),
            pltpu.VMEM((3 * LANES, D), jnp.float32),
            pltpu.VMEM((LANES,), jnp.float32),
            pltpu.SemaphoreType.DMA,
        ],
    )(states_flat, ot, bp, ap, n_ops)

    s = jnp.sum(partials, axis=0)
    id_loss = s[0] / jnp.maximum(s[3], 1.0)
    ca_loss = s[1] / jnp.maximum(s[4], 1.0)
    co_loss = s[2] / jnp.maximum(s[5], 1.0)
    total = id_loss + ca_loss + 0.5 * co_loss
    return total, id_loss, ca_loss, co_loss


def kernel(states, op_types, op_before_pos, op_after_pos, n_ops):
    states_flat = states.reshape(B * L, D)
    return _run(states_flat,
                op_types.astype(jnp.int32),
                op_before_pos.astype(jnp.int32),
                op_after_pos.astype(jnp.int32),
                n_ops.astype(jnp.int32))

# --- scband reference (transcript-rebuilt; emitter-appended) ---
"""Pipeline reference for scband-rule-constraint-loss-31086973288940 (READ-ONLY COPY).

The authoritative reference and input builder live on the scoring server;
editing this copy changes nothing except your own understanding.
"""

import jax, jax.numpy as jnp
import numpy as np

OP_IDENTITY = 2
OP_CANCEL_START = 3
OP_CANCEL_END = 4
OP_STAR_ZERO = 5

IDENTITY_WEIGHT = 1.0
CANCEL_WEIGHT = 1.0
COLLAPSE_WEIGHT = 0.5


def setup_inputs(seed: int = 0) -> dict:
    key = jax.random.key(seed)
    k1, k2, k3, k4, k5 = jax.random.split(key, 5)
    B, L, D, MAX_OPS = 8, 4096, 128, 64
    states = jax.random.normal(k1, (B, L, D), dtype=jnp.float32)
    op_types = jax.random.randint(k2, (B, MAX_OPS), 0, 6)
    op_before_pos = jax.random.randint(k3, (B, MAX_OPS), 0, L)
    op_after_pos = jax.random.randint(k4, (B, MAX_OPS), 0, L)
    n_ops = jax.random.randint(k5, (B,), 0, MAX_OPS)
    return {
        "states": states,
        "op_types": op_types,
        "op_before_pos": op_before_pos,
        "op_after_pos": op_after_pos,
        "n_ops": n_ops,
    }


def _mse(a, b):
    return jnp.mean((a - b) ** 2)


def _entropy(s):
    energy = s ** 2
    probs = energy / (jnp.sum(energy) + 1e-09)
    return -jnp.sum(probs * jnp.log2(probs + 1e-09))


def _compute_losses(states, ot_np, bp_np, ap_np, n_np):
    B, L, D = states.shape
    MAX_OPS = ot_np.shape[1]

    def body(carry, idx):
        skip, identity_loss, cancel_loss, collapse_loss, n_identity, n_cancel, n_collapse = carry
        b = idx // MAX_OPS
        i = idx % MAX_OPS
        skip = jnp.where(i == 0, False, skip)
        n = n_np[b]
        ot = ot_np[b, i]
        bp = bp_np[b, i]
        ap = ap_np[b, i]
        active = (i < n) & (~skip)
        valid = (bp >= 0) & (bp < L) & (ap >= 0) & (ap < L)
        act = active & valid
        s_before = states[b, jnp.clip(bp, 0, L - 1)]
        s_after = states[b, jnp.clip(ap, 0, L - 1)]

        is_id = act & (ot == OP_IDENTITY)
        identity_loss = identity_loss + jnp.where(is_id, _mse(s_after, s_before), 0.0)
        n_identity = n_identity + is_id.astype(jnp.int32)

        i_next = jnp.minimum(i + 1, MAX_OPS - 1)
        is_cs = act & (ot == OP_CANCEL_START)
        pair = is_cs & (i + 1 < n) & (ot_np[b, i_next] == OP_CANCEL_END)
        ap_end = ap_np[b, i_next]
        pair_valid = pair & (ap_end < L)
        s_after_pair = states[b, jnp.clip(ap_end, 0, L - 1)]
        cancel_loss = cancel_loss + jnp.where(pair_valid, _mse(s_after_pair, s_before), 0.0)
        n_cancel = n_cancel + pair_valid.astype(jnp.int32)

        is_sz = act & (ot == OP_STAR_ZERO)
        collapse_term = jnp.maximum(_entropy(s_after) - _entropy(s_before) + 0.5, 0.0)
        collapse_loss = collapse_loss + jnp.where(is_sz, collapse_term, 0.0)
        n_collapse = n_collapse + is_sz.astype(jnp.int32)

        skip_next = pair
        return (skip_next, identity_loss, cancel_loss, collapse_loss,
                n_identity, n_cancel, n_collapse), None

    init = (jnp.asarray(False),
            jnp.asarray(0.0, dtype=jnp.float32),
            jnp.asarray(0.0, dtype=jnp.float32),
            jnp.asarray(0.0, dtype=jnp.float32),
            jnp.asarray(0, dtype=jnp.int32),
            jnp.asarray(0, dtype=jnp.int32),
            jnp.asarray(0, dtype=jnp.int32))
    carry, _ = jax.lax.scan(body, init, jnp.arange(B * MAX_OPS))
    _, identity_loss, cancel_loss, collapse_loss, n_identity, n_cancel, n_collapse = carry

    identity_loss = jnp.where(n_identity > 0,
                              identity_loss / jnp.maximum(n_identity, 1),
                              identity_loss)
    cancel_loss = jnp.where(n_cancel > 0,
                            cancel_loss / jnp.maximum(n_cancel, 1),
                            cancel_loss)
    collapse_loss = jnp.where(n_collapse > 0,
                              collapse_loss / jnp.maximum(n_collapse, 1),
                              collapse_loss)
    total = (IDENTITY_WEIGHT * identity_loss
             + CANCEL_WEIGHT * cancel_loss
             + COLLAPSE_WEIGHT * collapse_loss)
    return total, identity_loss, cancel_loss, collapse_loss


def reference(states, op_types, op_before_pos, op_after_pos, n_ops):
    total, identity_loss, cancel_loss, collapse_loss = _compute_losses(
        states, op_types, op_before_pos, op_after_pos, n_ops)
    return (total, identity_loss, cancel_loss, collapse_loss)

if __name__ == "__main__":
    import jax
    _d = setup_inputs()
    print(jax.jit(kernel)(*tuple(_d.values())))

</pallas_src>

<mosaic_0001>
#map = affine_map<(d0, d1) -> (0, 0)>
#map1 = affine_map<(d0, d1) -> (0)>
module attributes {stable_mosaic.version = 14 : i64} {
  func.func @_sc_body(%arg0: i32, %arg1: i32, %arg2: memref<32768x128xf32, #tpu.memory_space<hbm>>, %arg3: memref<8x64xi32, #tpu.memory_space<hbm>>, %arg4: memref<8x64xi32, #tpu.memory_space<hbm>>, %arg5: memref<8x64xi32, #tpu.memory_space<hbm>>, %arg6: memref<8xi32, #tpu.memory_space<hbm>>, %arg7: memref<32x16xf32, #tpu.memory_space<hbm>>, %arg8: memref<64xi32, #tpu.memory_space<vmem>>, %arg9: memref<64xi32, #tpu.memory_space<vmem>>, %arg10: memref<64xi32, #tpu.memory_space<vmem>>, %arg11: memref<8xi32, #tpu.memory_space<vmem>>, %arg12: memref<48xi32, #tpu.memory_space<vmem>>, %arg13: memref<48x128xf32, #tpu.memory_space<vmem>>, %arg14: memref<16xf32, #tpu.memory_space<vmem>>, %arg15: memref<!tpu.dma_semaphore, #tpu.memory_space<semaphore_mem>>) attributes {dimension_semantics = [#tpu.dimension_semantics<core_parallel>, #tpu.dimension_semantics<subcore_parallel>], iteration_bounds = array<i64: 2, 16>, scalar_prefetch = 0 : i64, scratch_operands = 8 : i64, tpu.core_type = #tpu.core_type<sc_vector_subcore>, window_params = [{transform_indices = #map}, {transform_indices = #map}, {transform_indices = #map}, {transform_indices = #map}, {transform_indices = #map1}, {transform_indices = #map}]} {
    %mul3A = arith.constant 2 : i32
    %mul3A_0 = arith.muli %arg1, %mul3A : i32
    %add3A = arith.addi %mul3A_0, %arg0 : i32
    %jit3A = arith.constant 4 : i32
    %div3A = arith.divsi %add3A, %jit3A : i32
    %sign3A = arith.constant 0 : i32
    %sign3A_1 = arith.cmpi sgt, %add3A, %sign3A : i32
    %sign3A_2 = arith.extui %sign3A_1 : i1 to i32
    %sign3A_3 = arith.constant 0 : i32
    %sign3A_4 = arith.cmpi slt, %add3A, %sign3A_3 : i32
    %sign3A_5 = arith.extui %sign3A_4 : i1 to i32
    %sign3A_6 = arith.subi %sign3A_2, %sign3A_5 : i32
    %sign3A_7 = arith.constant 0 : i32
    %sign3A_8 = arith.cmpi sgt, %jit3A, %sign3A_7 : i32
    %sign3A_9 = arith.extui %sign3A_8 : i1 to i32
    %sign3A_10 = arith.constant 0 : i32
    %sign3A_11 = arith.cmpi slt, %jit3A, %sign3A_10 : i32
    %sign3A_12 = arith.extui %sign3A_11 : i1 to i32
    %sign3A_13 = arith.subi %sign3A_9, %sign3A_12 : i32
    %ne3A = arith.cmpi ne, %sign3A_6, %sign3A_13 : i32
    %rem3A = arith.remsi %add3A, %jit3A : i32
    %ne3A_14 = arith.constant 0 : i32
    %ne3A_15 = arith.cmpi ne, %rem3A, %ne3A_14 : i32
    %and3A = arith.andi %ne3A, %ne3A_15 : i1
    %sub3A = arith.constant 1 : i32
    %sub3A_16 = arith.subi %div3A, %sub3A : i32
    %select_n3A = arith.select %and3A, %sub3A_16, %div3A : i32
    %jit3A_17 = arith.constant 4 : i32
    %eq3A = arith.constant 0 : i32
    %eq3A_18 = arith.cmpi eq, %jit3A_17, %eq3A : i32
    %jit3A_19 = arith.constant 1 : i32
    %select_n3A_20 = arith.select %eq3A_18, %jit3A_19, %jit3A_17 : i32
    %rem3A_21 = arith.remsi %add3A, %select_n3A_20 : i32
    %ne3A_22 = arith.constant 0 : i32
    %ne3A_23 = arith.cmpi ne, %rem3A_21, %ne3A_22 : i32
    %lt3A = arith.constant 0 : i32
    %lt3A_24 = arith.cmpi slt, %rem3A_21, %lt3A : i32
    %lt3A_25 = arith.constant 0 : i32
    %lt3A_26 = arith.cmpi slt, %select_n3A_20, %lt3A_25 : i32
    %ne3A_27 = arith.xori %lt3A_24, %lt3A_26 : i1
    %and3A_28 = arith.andi %ne3A_27, %ne3A_23 : i1
    %add3A_29 = arith.addi %rem3A_21, %select_n3A_20 : i32
    %select_n3A_30 = arith.select %and3A_28, %add3A_29, %rem3A_21 : i32
    %mul3A_31 = arith.constant 16 : i32
    %mul3A_32 = arith.muli %select_n3A_30, %mul3A_31 : i32
    %dma_start3A = arith.constant 0 : i32
    %dma_start3A_33 = tpu.memref_slice %arg3[%select_n3A, %dma_start3A] : memref<8x64xi32, #tpu.memory_space<hbm>> -> memref<1x64xi32, #tpu.memory_space<hbm>>
    %dma_start3A_34 = tpu.memref_squeeze %dma_start3A_33 : memref<1x64xi32, #tpu.memory_space<hbm>> -> memref<64xi32, #tpu.memory_space<hbm>>
    %dma_start3A_35 = arith.constant 0 : i32
    %dma_start3A_36 = tpu.memref_slice %arg3[%select_n3A, %dma_start3A_35] : memref<8x64xi32, #tpu.memory_space<hbm>> -> memref<1x64xi32, #tpu.memory_space<hbm>>
    %dma_start3A_37 = tpu.memref_squeeze %dma_start3A_36 : memref<1x64xi32, #tpu.memory_space<hbm>> -> memref<64xi32, #tpu.memory_space<hbm>>
    tpu.enqueue_dma source(%dma_start3A_37 : memref<64xi32, #tpu.memory_space<hbm>>) target(%arg8 : memref<64xi32, #tpu.memory_space<vmem>>) target_semaphore(%arg15 : memref<!tpu.dma_semaphore, #tpu.memory_space<semaphore_mem>>)
    %dma_start3A_38 = arith.constant 0 : i32
    %dma_start3A_39 = tpu.memref_slice %arg4[%select_n3A, %dma_start3A_38] : memref<8x64xi32, #tpu.memory_space<hbm>> -> memref<1x64xi32, #tpu.memory_space<hbm>>
    %dma_start3A_40 = tpu.memref_squeeze %dma_start3A_39 : memref<1x64xi32, #tpu.memory_space<hbm>> -> memref<64xi32, #tpu.memory_space<hbm>>
    %dma_start3A_41 = arith.constant 0 : i32
    %dma_start3A_42 = tpu.memref_slice %arg4[%select_n3A, %dma_start3A_41] : memref<8x64xi32, #tpu.memory_space<hbm>> -> memref<1x64xi32, #tpu.memory_space<hbm>>
    %dma_start3A_43 = tpu.memref_squeeze %dma_start3A_42 : memref<1x64xi32, #tpu.memory_space<hbm>> -> memref<64xi32, #tpu.memory_space<hbm>>
    tpu.enqueue_dma source(%dma_start3A_43 : memref<64xi32, #tpu.memory_space<hbm>>) target(%arg9 : memref<64xi32, #tpu.memory_space<vmem>>) target_semaphore(%arg15 : memref<!tpu.dma_semaphore, #tpu.memory_space<semaphore_mem>>)
    %dma_start3A_44 = arith.constant 0 : i32
    %dma_start3A_45 = tpu.memref_slice %arg5[%select_n3A, %dma_start3A_44] : memref<8x64xi32, #tpu.memory_space<hbm>> -> memref<1x64xi32, #tpu.memory_space<hbm>>
    %dma_start3A_46 = tpu.memref_squeeze %dma_start3A_45 : memref<1x64xi32, #tpu.memory_space<hbm>> -> memref<64xi32, #tpu.memory_space<hbm>>
    %dma_start3A_47 = arith.constant 0 : i32
    %dma_start3A_48 = tpu.memref_slice %arg5[%select_n3A, %dma_start3A_47] : memref<8x64xi32, #tpu.memory_space<hbm>> -> memref<1x64xi32, #tpu.memory_space<hbm>>
    %dma_start3A_49 = tpu.memref_squeeze %dma_start3A_48 : memref<1x64xi32, #tpu.memory_space<hbm>> -> memref<64xi32, #tpu.memory_space<hbm>>
    tpu.enqueue_dma source(%dma_start3A_49 : memref<64xi32, #tpu.memory_space<hbm>>) target(%arg10 : memref<64xi32, #tpu.memory_space<vmem>>) target_semaphore(%arg15 : memref<!tpu.dma_semaphore, #tpu.memory_space<semaphore_mem>>)
    tpu.enqueue_dma source(%arg6 : memref<8xi32, #tpu.memory_space<hbm>>) target(%arg11 : memref<8xi32, #tpu.memory_space<vmem>>) target_semaphore(%arg15 : memref<!tpu.dma_semaphore, #tpu.memory_space<semaphore_mem>>)
    %dma_wait3A = arith.constant 0 : i32
    %dma_wait3A_50 = tpu.memref_slice %arg3[%select_n3A, %dma_wait3A] : memref<8x64xi32, #tpu.memory_space<hbm>> -> memref<1x64xi32, #tpu.memory_space<hbm>>
    %dma_wait3A_51 = tpu.memref_squeeze %dma_wait3A_50 : memref<1x64xi32, #tpu.memory_space<hbm>> -> memref<64xi32, #tpu.memory_space<hbm>>
    %dma_wait3A_52 = arith.constant 0 : i32
    %dma_wait3A_53 = tpu.memref_slice %arg3[%select_n3A, %dma_wait3A_52] : memref<8x64xi32, #tpu.memory_space<hbm>> -> memref<1x64xi32, #tpu.memory_space<hbm>>
    %dma_wait3A_54 = tpu.memref_squeeze %dma_wait3A_53 : memref<1x64xi32, #tpu.memory_space<hbm>> -> memref<64xi32, #tpu.memory_space<hbm>>
    tpu.wait_dma2 semaphore(%arg15 : memref<!tpu.dma_semaphore, #tpu.memory_space<semaphore_mem>>) src(%dma_wait3A_54 : memref<64xi32, #tpu.memory_space<hbm>>) dst(%arg8 : memref<64xi32, #tpu.memory_space<vmem>>)
    %dma_wait3A_55 = arith.constant 0 : i32
    %dma_wait3A_56 = tpu.memref_slice %arg4[%select_n3A, %dma_wait3A_55] : memref<8x64xi32, #tpu.memory_space<hbm>> -> memref<1x64xi32, #tpu.memory_space<hbm>>
    %dma_wait3A_57 = tpu.memref_squeeze %dma_wait3A_56 : memref<1x64xi32, #tpu.memory_space<hbm>> -> memref<64xi32, #tpu.memory_space<hbm>>
    %dma_wait3A_58 = arith.constant 0 : i32
    %dma_wait3A_59 = tpu.memref_slice %arg4[%select_n3A, %dma_wait3A_58] : memref<8x64xi32, #tpu.memory_space<hbm>> -> memref<1x64xi32, #tpu.memory_space<hbm>>
    %dma_wait3A_60 = tpu.memref_squeeze %dma_wait3A_59 : memref<1x64xi32, #tpu.memory_space<hbm>> -> memref<64xi32, #tpu.memory_space<hbm>>
    tpu.wait_dma2 semaphore(%arg15 : memref<!tpu.dma_semaphore, #tpu.memory_space<semaphore_mem>>) src(%dma_wait3A_60 : memref<64xi32, #tpu.memory_space<hbm>>) dst(%arg9 : memref<64xi32, #tpu.memory_space<vmem>>)
    %dma_wait3A_61 = arith.constant 0 : i32
    %dma_wait3A_62 = tpu.memref_slice %arg5[%select_n3A, %dma_wait3A_61] : memref<8x64xi32, #tpu.memory_space<hbm>> -> memref<1x64xi32, #tpu.memory_space<hbm>>
    %dma_wait3A_63 = tpu.memref_squeeze %dma_wait3A_62 : memref<1x64xi32, #tpu.memory_space<hbm>> -> memref<64xi32, #tpu.memory_space<hbm>>
    %dma_wait3A_64 = arith.constant 0 : i32
    %dma_wait3A_65 = tpu.memref_slice %arg5[%select_n3A, %dma_wait3A_64] : memref<8x64xi32, #tpu.memory_space<hbm>> -> memref<1x64xi32, #tpu.memory_space<hbm>>
    %dma_wait3A_66 = tpu.memref_squeeze %dma_wait3A_65 : memref<1x64xi32, #tpu.memory_space<hbm>> -> memref<64xi32, #tpu.memory_space<hbm>>
    tpu.wait_dma2 semaphore(%arg15 : memref<!tpu.dma_semaphore, #tpu.memory_space<semaphore_mem>>) src(%dma_wait3A_66 : memref<64xi32, #tpu.memory_space<hbm>>) dst(%arg10 : memref<64xi32, #tpu.memory_space<vmem>>)
    tpu.wait_dma2 semaphore(%arg15 : memref<!tpu.dma_semaphore, #tpu.memory_space<semaphore_mem>>) src(%arg6 : memref<8xi32, #tpu.memory_space<hbm>>) dst(%arg11 : memref<8xi32, #tpu.memory_space<vmem>>)
    %iota3A = tpu.iota {dimensions = array<i32: 0>} : vector<16xi32>
    %add3A_67 = vector.broadcast %mul3A_32 : i32 to vector<16xi32>
    %add3A_68 = arith.addi %add3A_67, %iota3A : vector<16xi32>
    %add3A_69 = arith.constant 1 : i32
    %add3A_70 = vector.broadcast %add3A_69 : i32 to vector<16xi32>
    %add3A_71 = arith.addi %add3A_68, %add3A_70 : vector<16xi32>
    %min3A = arith.constant 63 : i32
    %min3A_72 = vector.broadcast %min3A : i32 to vector<16xi32>
    %min3A_73 = arith.minsi %add3A_71, %min3A_72 : vector<16xi32>
    %get3A = arith.index_cast %mul3A_32 : i32 to index
    %get3A_74 = tpu.vector_load %arg8[%get3A] {strides = array<i32>} : memref<64xi32, #tpu.memory_space<vmem>>, vector<16xi32>,
    %get3A_75 = arith.index_cast %mul3A_32 : i32 to index
    %get3A_76 = tpu.vector_load %arg9[%get3A_75] {strides = array<i32>} : memref<64xi32, #tpu.memory_space<vmem>>, vector<16xi32>,
    %get3A_77 = arith.index_cast %mul3A_32 : i32 to index
    %get3A_78 = tpu.vector_load %arg10[%get3A_77] {strides = array<i32>} : memref<64xi32, #tpu.memory_space<vmem>>, vector<16xi32>,
    %gather3A = tpu.vector_load_idx %arg8[%min3A_73] : memref<64xi32, #tpu.memory_space<vmem>>[vector<16xi32>], vector<16xi32>,
    %gather3A_79 = tpu.vector_load_idx %arg10[%min3A_73] : memref<64xi32, #tpu.memory_space<vmem>>[vector<16xi32>], vector<16xi32>,
    %broadcast_in_dim3A = vector.broadcast %select_n3A : i32 to vector<16xi32>
    %gather3A_80 = tpu.vector_load_idx %arg11[%broadcast_in_dim3A] : memref<8xi32, #tpu.memory_space<vmem>>[vector<16xi32>], vector<16xi32>,
    %mul3A_81 = arith.constant 4096 : i32
    %mul3A_82 = arith.muli %select_n3A, %mul3A_81 : i32
    %jit3A_83 = arith.constant 0 : i32
    %jit3A_84 = arith.constant 4095 : i32
    %max3A = vector.broadcast %jit3A_83 : i32 to vector<16xi32>
    %max3A_85 = arith.maxsi %max3A, %get3A_76 : vector<16xi32>
    %min3A_86 = vector.broadcast %jit3A_84 : i32 to vector<16xi32>
    %min3A_87 = arith.minsi %min3A_86, %max3A_85 : vector<16xi32>
    %add3A_88 = vector.broadcast %mul3A_82 : i32 to vector<16xi32>
    %add3A_89 = arith.addi %add3A_88, %min3A_87 : vector<16xi32>
    %swap3A = arith.constant 0 : index
    %swap3A_90 = tpu.vector_load %arg12[%swap3A] {strides = array<i32>} : memref<48xi32, #tpu.memory_space<vmem>>, vector<16xi32>,
    tpu.vector_store %arg12[%swap3A], %add3A_89 {strides = array<i32>} : memref<48xi32, #tpu.memory_space<vmem>>, vector<16xi32>,
    %jit3A_91 = arith.constant 0 : i32
    %jit3A_92 = arith.constant 4095 : i32
    %max3A_93 = vector.broadcast %jit3A_91 : i32 to vector<16xi32>
    %max3A_94 = arith.maxsi %max3A_93, %get3A_78 : vector<16xi32>
    %min3A_95 = vector.broadcast %jit3A_92 : i32 to vector<16xi32>
    %min3A_96 = arith.minsi %min3A_95, %max3A_94 : vector<16xi32>
    %add3A_97 = vector.broadcast %mul3A_82 : i32 to vector<16xi32>
    %add3A_98 = arith.addi %add3A_97, %min3A_96 : vector<16xi32>
    %swap3A_99 = arith.constant 16 : index
    %swap3A_100 = tpu.vector_load %arg12[%swap3A_99] {strides = array<i32>} : memref<48xi32, #tpu.memory_space<vmem>>, vector<16xi32>,
    tpu.vector_store %arg12[%swap3A_99], %add3A_98 {strides = array<i32>} : memref<48xi32, #tpu.memory_space<vmem>>, vector<16xi32>,
    %jit3A_101 = arith.constant 0 : i32
    %jit3A_102 = arith.constant 4095 : i32
    %max3A_103 = vector.broadcast %jit3A_101 : i32 to vector<16xi32>
    %max3A_104 = arith.maxsi %max3A_103, %gather3A_79 : vector<16xi32>
    %min3A_105 = vector.broadcast %jit3A_102 : i32 to vector<16xi32>
    %min3A_106 = arith.minsi %min3A_105, %max3A_104 : vector<16xi32>
    %add3A_107 = vector.broadcast %mul3A_82 : i32 to vector<16xi32>
    %add3A_108 = arith.addi %add3A_107, %min3A_106 : vector<16xi32>
    %swap3A_109 = arith.constant 32 : index
    %swap3A_110 = tpu.vector_load %arg12[%swap3A_109] {strides = array<i32>} : memref<48xi32, #tpu.memory_space<vmem>>, vector<16xi32>,
    tpu.vector_store %arg12[%swap3A_109], %add3A_108 {strides = array<i32>} : memref<48xi32, #tpu.memory_space<vmem>>, vector<16xi32>,
    %dma_start3A_111 = arith.constant 0 : i32
    %dma_start3A_112 = arith.constant 0 : i32
    %dma_start3A_113 = tpu.memref_slice %arg2[%dma_start3A_111, %dma_start3A_112] : memref<32768x128xf32, #tpu.memory_space<hbm>> -> memref<32768x128xf32, #tpu.memory_space<hbm>>
    tpu.enqueue_indirect_dma source(%dma_start3A_113 : memref<32768x128xf32, #tpu.memory_space<hbm>>) target(%arg13 : memref<48x128xf32, #tpu.memory_space<vmem>>) offsets(%arg12 : memref<48xi32, #tpu.memory_space<vmem>>) semaphore(%arg15 : memref<!tpu.dma_semaphore, #tpu.memory_space<semaphore_mem>>)
    %lt3A_114 = arith.cmpi slt, %add3A_68, %gather3A_80 : vector<16xi32>
    %ge3A = arith.constant 0 : i32
    %ge3A_115 = vector.broadcast %ge3A : i32 to vector<16xi32>
    %ge3A_116 = arith.cmpi sge, %get3A_76, %ge3A_115 : vector<16xi32>
    %lt3A_117 = arith.constant 4096 : i32
    %lt3A_118 = vector.broadcast %lt3A_117 : i32 to vector<16xi32>
    %lt3A_119 = arith.cmpi slt, %get3A_76, %lt3A_118 : vector<16xi32>
    %and3A_120 = arith.andi %ge3A_116, %lt3A_119 : vector<16xi1>
    %ge3A_121 = arith.constant 0 : i32
    %ge3A_122 = vector.broadcast %ge3A_121 : i32 to vector<16xi32>
    %ge3A_123 = arith.cmpi sge, %get3A_78, %ge3A_122 : vector<16xi32>
    %and3A_124 = arith.andi %and3A_120, %ge3A_123 : vector<16xi1>
    %lt3A_125 = arith.constant 4096 : i32
    %lt3A_126 = vector.broadcast %lt3A_125 : i32 to vector<16xi32>
    %lt3A_127 = arith.cmpi slt, %get3A_78, %lt3A_126 : vector<16xi32>
    %and3A_128 = arith.andi %and3A_124, %lt3A_127 : vector<16xi1>
    %and3A_129 = arith.andi %lt3A_114, %and3A_128 : vector<16xi1>
    %eq3A_130 = arith.constant 2 : i32
    %eq3A_131 = vector.broadcast %eq3A_130 : i32 to vector<16xi32>
    %eq3A_132 = arith.cmpi eq, %get3A_74, %eq3A_131 : vector<16xi32>
    %and3A_133 = arith.andi %and3A_129, %eq3A_132 : vector<16xi1>
    %eq3A_134 = arith.constant 3 : i32
    %eq3A_135 = vector.broadcast %eq3A_134 : i32 to vector<16xi32>
    %eq3A_136 = arith.cmpi eq, %get3A_74, %eq3A_135 : vector<16xi32>
    %and3A_137 = arith.andi %and3A_129, %eq3A_136 : vector<16xi1>
    %add3A_138 = arith.constant 1 : i32
    %add3A_139 = vector.broadcast %add3A_138 : i32 to vector<16xi32>
    %add3A_140 = arith.addi %add3A_68, %add3A_139 : vector<16xi32>
    %lt3A_141 = arith.cmpi slt, %add3A_140, %gather3A_80 : vector<16xi32>
    %and3A_142 = arith.andi %and3A_137, %lt3A_141 : vector<16xi1>
    %eq3A_143 = arith.constant 4 : i32
    %eq3A_144 = vector.broadcast %eq3A_143 : i32 to vector<16xi32>
    %eq3A_145 = arith.cmpi eq, %gather3A, %eq3A_144 : vector<16xi32>
    %and3A_146 = arith.andi %and3A_142, %eq3A_145 : vector<16xi1>
    %lt3A_147 = arith.constant 4096 : i32
    %lt3A_148 = vector.broadcast %lt3A_147 : i32 to vector<16xi32>
    %lt3A_149 = arith.cmpi slt, %gather3A_79, %lt3A_148 : vector<16xi32>
    %and3A_150 = arith.andi %and3A_146, %lt3A_149 : vector<16xi1>
    %eq3A_151 = arith.constant 5 : i32
    %eq3A_152 = vector.broadcast %eq3A_151 : i32 to vector<16xi32>
    %eq3A_153 = arith.cmpi eq, %get3A_74, %eq3A_152 : vector<16xi32>
    %and3A_154 = arith.andi %and3A_129, %eq3A_153 : vector<16xi1>
    %jit3A_155 = arith.constant 1.000000e+00 : f32
    %jit3A_156 = arith.constant 0.000000e+00 : f32
    %broadcast_in_dim3A_157 = vector.broadcast %jit3A_155 : f32 to vector<16xf32>
    %broadcast_in_dim3A_158 = vector.broadcast %jit3A_156 : f32 to vector<16xf32>
    %select_n3A_159 = arith.select %and3A_133, %broadcast_in_dim3A_157, %broadcast_in_dim3A_158 : vector<16xi1>, vector<16xf32>
    %jit3A_160 = arith.constant 1.000000e+00 : f32
    %jit3A_161 = arith.constant 0.000000e+00 : f32
    %broadcast_in_dim3A_162 = vector.broadcast %jit3A_160 : f32 to vector<16xf32>
    %broadcast_in_dim3A_163 = vector.broadcast %jit3A_161 : f32 to vector<16xf32>
    %select_n3A_164 = arith.select %and3A_150, %broadcast_in_dim3A_162, %broadcast_in_dim3A_163 : vector<16xi1>, vector<16xf32>
    %jit3A_165 = arith.constant 1.000000e+00 : f32
    %jit3A_166 = arith.constant 0.000000e+00 : f32
    %broadcast_in_dim3A_167 = vector.broadcast %jit3A_165 : f32 to vector<16xf32>
    %broadcast_in_dim3A_168 = vector.broadcast %jit3A_166 : f32 to vector<16xf32>
    %select_n3A_169 = arith.select %and3A_154, %broadcast_in_dim3A_167, %broadcast_in_dim3A_168 : vector<16xi1>, vector<16xf32>
    %reduce_sum3A = arith.constant true
    %reduce_sum3A_170 = vector.broadcast %reduce_sum3A : i1 to vector<16xi1>
    %reduce_sum3A_171 = tpu.scan <sum>, %select_n3A_159 masked %reduce_sum3A_170 : vector<16xf32>, vector<16xi1> -> vector<16xf32>
    %reduce_sum3A_172 = vector.extract %reduce_sum3A_171[15] : f32 from vector<16xf32>
    %reduce_sum3A_173 = arith.constant true
    %reduce_sum3A_174 = vector.broadcast %reduce_sum3A_173 : i1 to vector<16xi1>
    %reduce_sum3A_175 = tpu.scan <sum>, %select_n3A_164 masked %reduce_sum3A_174 : vector<16xf32>, vector<16xi1> -> vector<16xf32>
    %reduce_sum3A_176 = vector.extract %reduce_sum3A_175[15] : f32 from vector<16xf32>
    %reduce_sum3A_177 = arith.constant true
    %reduce_sum3A_178 = vector.broadcast %reduce_sum3A_177 : i1 to vector<16xi1>
    %reduce_sum3A_179 = tpu.scan <sum>, %select_n3A_169 masked %reduce_sum3A_178 : vector<16xf32>, vector<16xi1> -> vector<16xf32>
    %reduce_sum3A_180 = vector.extract %reduce_sum3A_179[15] : f32 from vector<16xf32>
    %dma_wait3A_181 = arith.constant 0 : i32
    %dma_wait3A_182 = arith.constant 0 : i32
    %dma_wait3A_183 = tpu.memref_slice %arg2[%dma_wait3A_181, %dma_wait3A_182] : memref<32768x128xf32, #tpu.memory_space<hbm>> -> memref<32768x128xf32, #tpu.memory_space<hbm>>
    tpu.wait_indirect_dma semaphore(%arg15 : memref<!tpu.dma_semaphore, #tpu.memory_space<semaphore_mem>>) src(%dma_wait3A_183 : memref<32768x128xf32, #tpu.memory_space<hbm>>) dst(%arg13 : memref<48x128xf32, #tpu.memory_space<vmem>>)
    %scan3A = arith.constant 0.000000e+00 : f32
    %scan3A_184 = arith.constant 0.000000e+00 : f32
    %scan3A_185 = arith.constant 0.000000e+00 : f32
    %scan3A_186 = arith.constant 0 : i32
    %scan3A_187 = arith.constant 16 : i32
    %scan3A_188 = arith.addi %scan3A_186, %scan3A_187 : i32
    %scan3A_189 = arith.constant 1 : i32
    %scan3A_190:3 = scf.for %scan3A_226 = %scan3A_186 to %scan3A_188 step %scan3A_189 iter_args(%scan3A_227 = %scan3A, %scan3A_228 = %scan3A_184, %scan3A_229 = %scan3A_185) -> (f32, f32, f32)  : i32 {
      %eq3A_230 = vector.broadcast %scan3A_226 : i32 to vector<16xi32>
      %eq3A_231 = arith.cmpi eq, %iota3A, %eq3A_230 : vector<16xi32>
      %jit3A_232 = arith.constant 0.000000e+00 : f32
      %broadcast_in_dim3A_233 = vector.broadcast %jit3A_232 : f32 to vector<16xf32>
      %select_n3A_234 = arith.select %eq3A_231, %select_n3A_159, %broadcast_in_dim3A_233 : vector<16xi1>, vector<16xf32>
      %reduce_sum3A_235 = arith.constant true
      %reduce_sum3A_236 = vector.broadcast %reduce_sum3A_235 : i1 to vector<16xi1>
      %reduce_sum3A_237 = tpu.scan <sum>, %select_n3A_234 masked %reduce_sum3A_236 : vector<16xf32>, vector<16xi1> -> vector<16xf32>
      %reduce_sum3A_238 = vector.extract %reduce_sum3A_237[15] : f32 from vector<16xf32>
      %jit3A_239 = arith.constant 0.000000e+00 : f32
      %broadcast_in_dim3A_240 = vector.broadcast %jit3A_239 : f32 to vector<16xf32>
      %select_n3A_241 = arith.select %eq3A_231, %select_n3A_164, %broadcast_in_dim3A_240 : vector<16xi1>, vector<16xf32>
      %reduce_sum3A_242 = arith.constant true
      %reduce_sum3A_243 = vector.broadcast %reduce_sum3A_242 : i1 to vector<16xi1>
      %reduce_sum3A_244 = tpu.scan <sum>, %select_n3A_241 masked %reduce_sum3A_243 : vector<16xf32>, vector<16xi1> -> vector<16xf32>
      %reduce_sum3A_245 = vector.extract %reduce_sum3A_244[15] : f32 from vector<16xf32>
      %jit3A_246 = arith.constant 0.000000e+00 : f32
      %broadcast_in_dim3A_247 = vector.broadcast %jit3A_246 : f32 to vector<16xf32>
      %select_n3A_248 = arith.select %eq3A_231, %select_n3A_169, %broadcast_in_dim3A_247 : vector<16xi1>, vector<16xf32>
      %reduce_sum3A_249 = arith.constant true
      %reduce_sum3A_250 = vector.broadcast %reduce_sum3A_249 : i1 to vector<16xi1>
      %reduce_sum3A_251 = tpu.scan <sum>, %select_n3A_248 masked %reduce_sum3A_250 : vector<16xf32>, vector<16xi1> -> vector<16xf32>
      %reduce_sum3A_252 = vector.extract %reduce_sum3A_251[15] : f32 from vector<16xf32>
      %add3A_253 = arith.addf %reduce_sum3A_238, %reduce_sum3A_245 : f32
      %add3A_254 = arith.addf %add3A_253, %reduce_sum3A_252 : f32
      %gt3A = arith.constant 0.000000e+00 : f32
      %gt3A_255 = arith.cmpf ogt, %add3A_254, %gt3A : f32
      %convert_element_type3A = arith.extui %gt3A_255 : i1 to i32
      %cond3A = arith.constant 0 : i32
      %cond3A_256 = arith.cmpi ne, %convert_element_type3A, %cond3A : i32
      %cond3A_257:3 = scf.if %cond3A_256 -> (f32, f32, f32) {
        %get3A_258 = arith.index_cast %scan3A_226 : i32 to index
        %get3A_259 = arith.constant 0 : index
        %get3A_260 = tpu.vector_load %arg13[%get3A_258, %get3A_259] {strides = array<i32>} : memref<48x128xf32, #tpu.memory_space<vmem>>, vector<16xf32>,
        %get3A_261 = arith.index_cast %scan3A_226 : i32 to index
        %get3A_262 = arith.constant 16 : index
        %get3A_263 = tpu.vector_load %arg13[%get3A_261, %get3A_262] {strides = array<i32>} : memref<48x128xf32, #tpu.memory_space<vmem>>, vector<16xf32>,
        %get3A_264 = arith.index_cast %scan3A_226 : i32 to index
        %get3A_265 = arith.constant 32 : index
        %get3A_266 = tpu.vector_load %arg13[%get3A_264, %get3A_265] {strides = array<i32>} : memref<48x128xf32, #tpu.memory_space<vmem>>, vector<16xf32>,
        %get3A_267 = arith.index_cast %scan3A_226 : i32 to index
        %get3A_268 = arith.constant 48 : index
        %get3A_269 = tpu.vector_load %arg13[%get3A_267, %get3A_268] {strides = array<i32>} : memref<48x128xf32, #tpu.memory_space<vmem>>, vector<16xf32>,
        %get3A_270 = arith.index_cast %scan3A_226 : i32 to index
        %get3A_271 = arith.constant 64 : index
        %get3A_272 = tpu.vector_load %arg13[%get3A_270, %get3A_271] {strides = array<i32>} : memref<48x128xf32, #tpu.memory_space<vmem>>, vector<16xf32>,
        %get3A_273 = arith.index_cast %scan3A_226 : i32 to index
        %get3A_274 = arith.constant 80 : index
        %get3A_275 = tpu.vector_load %arg13[%get3A_273, %get3A_274] {strides = array<i32>} : memref<48x128xf32, #tpu.memory_space<vmem>>, vector<16xf32>,
        %get3A_276 = arith.index_cast %scan3A_226 : i32 to index
        %get3A_277 = arith.constant 96 : index
        %get3A_278 = tpu.vector_load %arg13[%get3A_276, %get3A_277] {strides = array<i32>} : memref<48x128xf32, #tpu.memory_space<vmem>>, vector<16xf32>,
        %get3A_279 = arith.index_cast %scan3A_226 : i32 to index
        %get3A_280 = arith.constant 112 : index
        %get3A_281 = tpu.vector_load %arg13[%get3A_279, %get3A_280] {strides = array<i32>} : memref<48x128xf32, #tpu.memory_space<vmem>>, vector<16xf32>,
        %add3A_282 = arith.constant 16 : i32
        %add3A_283 = arith.addi %add3A_282, %scan3A_226 : i32
        %get3A_284 = arith.index_cast %add3A_283 : i32 to index
        %get3A_285 = arith.constant 0 : index
        %get3A_286 = tpu.vector_load %arg13[%get3A_284, %get3A_285] {strides = array<i32>} : memref<48x128xf32, #tpu.memory_space<vmem>>, vector<16xf32>,
        %get3A_287 = arith.index_cast %add3A_283 : i32 to index
        %get3A_288 = arith.constant 16 : index
        %get3A_289 = tpu.vector_load %arg13[%get3A_287, %get3A_288] {strides = array<i32>} : memref<48x128xf32, #tpu.memory_space<vmem>>, vector<16xf32>,
        %get3A_290 = arith.index_cast %add3A_283 : i32 to index
        %get3A_291 = arith.constant 32 : index
        %get3A_292 = tpu.vector_load %arg13[%get3A_290, %get3A_291] {strides = array<i32>} : memref<48x128xf32, #tpu.memory_space<vmem>>, vector<16xf32>,
        %get3A_293 = arith.index_cast %add3A_283 : i32 to index
        %get3A_294 = arith.constant 48 : index
        %get3A_295 = tpu.vector_load %arg13[%get3A_293, %get3A_294] {strides = array<i32>} : memref<48x128xf32, #tpu.memory_space<vmem>>, vector<16xf32>,
        %get3A_296 = arith.index_cast %add3A_283 : i32 to index
        %get3A_297 = arith.constant 64 : index
        %get3A_298 = tpu.vector_load %arg13[%get3A_296, %get3A_297] {strides = array<i32>} : memref<48x128xf32, #tpu.memory_space<vmem>>, vector<16xf32>,
        %get3A_299 = arith.index_cast %add3A_283 : i32 to index
        %get3A_300 = arith.constant 80 : index
        %get3A_301 = tpu.vector_load %arg13[%get3A_299, %get3A_300] {strides = array<i32>} : memref<48x128xf32, #tpu.memory_space<vmem>>, vector<16xf32>,
        %get3A_302 = arith.index_cast %add3A_283 : i32 to index
        %get3A_303 = arith.constant 96 : index
        %get3A_304 = tpu.vector_load %arg13[%get3A_302, %get3A_303] {strides = array<i32>} : memref<48x128xf32, #tpu.memory_space<vmem>>, vector<16xf32>,
        %get3A_305 = arith.index_cast %add3A_283 : i32 to index
        %get3A_306 = arith.constant 112 : index
        %get3A_307 = tpu.vector_load %arg13[%get3A_305, %get3A_306] {strides = array<i32>} : memref<48x128xf32, #tpu.memory_space<vmem>>, vector<16xf32>,
        %add3A_308 = arith.addf %reduce_sum3A_238, %reduce_sum3A_245 : f32
        %gt3A_309 = arith.constant 0.000000e+00 : f32
        %gt3A_310 = arith.cmpf ogt, %add3A_308, %gt3A_309 : f32
        %convert_element_type3A_311 = arith.extui %gt3A_310 : i1 to i32
        %cond3A_312 = arith.constant 0 : i32
        %cond3A_313 = arith.cmpi ne, %convert_element_type3A_311, %cond3A_312 : i32
        %cond3A_314:2 = scf.if %cond3A_313 -> (f32, f32) {
          %add3A_321 = arith.constant 32 : i32
          %add3A_322 = arith.addi %add3A_321, %scan3A_226 : i32
          %get3A_323 = arith.index_cast %add3A_322 : i32 to index
          %get3A_324 = arith.constant 0 : index
          %get3A_325 = tpu.vector_load %arg13[%get3A_323, %get3A_324] {strides = array<i32>} : memref<48x128xf32, #tpu.memory_space<vmem>>, vector<16xf32>,
          %get3A_326 = arith.index_cast %add3A_322 : i32 to index
          %get3A_327 = arith.constant 16 : index
          %get3A_328 = tpu.vector_load %arg13[%get3A_326, %get3A_327] {strides = array<i32>} : memref<48x128xf32, #tpu.memory_space<vmem>>, vector<16xf32>,
          %get3A_329 = arith.index_cast %add3A_322 : i32 to index
          %get3A_330 = arith.constant 32 : index
          %get3A_331 = tpu.vector_load %arg13[%get3A_329, %get3A_330] {strides = array<i32>} : memref<48x128xf32, #tpu.memory_space<vmem>>, vector<16xf32>,
          %get3A_332 = arith.index_cast %add3A_322 : i32 to index
          %get3A_333 = arith.constant 48 : index
          %get3A_334 = tpu.vector_load %arg13[%get3A_332, %get3A_333] {strides = array<i32>} : memref<48x128xf32, #tpu.memory_space<vmem>>, vector<16xf32>,
          %get3A_335 = arith.index_cast %add3A_322 : i32 to index
          %get3A_336 = arith.constant 64 : index
          %get3A_337 = tpu.vector_load %arg13[%get3A_335, %get3A_336] {strides = array<i32>} : memref<48x128xf32, #tpu.memory_space<vmem>>, vector<16xf32>,
          %get3A_338 = arith.index_cast %add3A_322 : i32 to index
          %get3A_339 = arith.constant 80 : index
          %get3A_340 = tpu.vector_load %arg13[%get3A_338, %get3A_339] {strides = array<i32>} : memref<48x128xf32, #tpu.memory_space<vmem>>, vector<16xf32>,
          %get3A_341 = arith.index_cast %add3A_322 : i32 to index
          %get3A_342 = arith.constant 96 : index
          %get3A_343 = tpu.vector_load %arg13[%get3A_341, %get3A_342] {strides = array<i32>} : memref<48x128xf32, #tpu.memory_space<vmem>>, vector<16xf32>,
          %get3A_344 = arith.index_cast %add3A_322 : i32 to index
          %get3A_345 = arith.constant 112 : index
          %get3A_346 = tpu.vector_load %arg13[%get3A_344, %get3A_345] {strides = array<i32>} : memref<48x128xf32, #tpu.memory_space<vmem>>, vector<16xf32>,
          %broadcast_in_dim3A_347 = arith.constant 0.000000e+00 : f32
          %broadcast_in_dim3A_348 = vector.broadcast %broadcast_in_dim3A_347 : f32 to vector<16xf32>
          %broadcast_in_dim3A_349 = arith.constant 0.000000e+00 : f32
          %broadcast_in_dim3A_350 = vector.broadcast %broadcast_in_dim3A_349 : f32 to vector<16xf32>
          %sub3A_351 = arith.subf %get3A_286, %get3A_260 : vector<16xf32>
          %sub3A_352 = arith.subf %get3A_325, %get3A_260 : vector<16xf32>
          %mul3A_353 = arith.mulf %sub3A_351, %sub3A_351 : vector<16xf32>
          %add3A_354 = arith.addf %broadcast_in_dim3A_348, %mul3A_353 : vector<16xf32>
          %mul3A_355 = arith.mulf %sub3A_352, %sub3A_352 : vector<16xf32>
          %add3A_356 = arith.addf %broadcast_in_dim3A_350, %mul3A_355 : vector<16xf32>
          %sub3A_357 = arith.subf %get3A_289, %get3A_263 : vector<16xf32>
          %sub3A_358 = arith.subf %get3A_328, %get3A_263 : vector<16xf32>
          %mul3A_359 = arith.mulf %sub3A_357, %sub3A_357 : vector<16xf32>
          %add3A_360 = arith.addf %add3A_354, %mul3A_359 : vector<16xf32>
          %mul3A_361 = arith.mulf %sub3A_358, %sub3A_358 : vector<16xf32>
          %add3A_362 = arith.addf %add3A_356, %mul3A_361 : vector<16xf32>
          %sub3A_363 = arith.subf %get3A_292, %get3A_266 : vector<16xf32>
          %sub3A_364 = arith.subf %get3A_331, %get3A_266 : vector<16xf32>
          %mul3A_365 = arith.mulf %sub3A_363, %sub3A_363 : vector<16xf32>
          %add3A_366 = arith.addf %add3A_360, %mul3A_365 : vector<16xf32>
          %mul3A_367 = arith.mulf %sub3A_364, %sub3A_364 : vector<16xf32>
          %add3A_368 = arith.addf %add3A_362, %mul3A_367 : vector<16xf32>
          %sub3A_369 = arith.subf %get3A_295, %get3A_269 : vector<16xf32>
          %sub3A_370 = arith.subf %get3A_334, %get3A_269 : vector<16xf32>
          %mul3A_371 = arith.mulf %sub3A_369, %sub3A_369 : vector<16xf32>
          %add3A_372 = arith.addf %add3A_366, %mul3A_371 : vector<16xf32>
          %mul3A_373 = arith.mulf %sub3A_370, %sub3A_370 : vector<16xf32>
          %add3A_374 = arith.addf %add3A_368, %mul3A_373 : vector<16xf32>
          %sub3A_375 = arith.subf %get3A_298, %get3A_272 : vector<16xf32>
          %sub3A_376 = arith.subf %get3A_337, %get3A_272 : vector<16xf32>
          %mul3A_377 = arith.mulf %sub3A_375, %sub3A_375 : vector<16xf32>
          %add3A_378 = arith.addf %add3A_372, %mul3A_377 : vector<16xf32>
          %mul3A_379 = arith.mulf %sub3A_376, %sub3A_376 : vector<16xf32>
          %add3A_380 = arith.addf %add3A_374, %mul3A_379 : vector<16xf32>
          %sub3A_381 = arith.subf %get3A_301, %get3A_275 : vector<16xf32>
          %sub3A_382 = arith.subf %get3A_340, %get3A_275 : vector<16xf32>
          %mul3A_383 = arith.mulf %sub3A_381, %sub3A_381 : vector<16xf32>
          %add3A_384 = arith.addf %add3A_378, %mul3A_383 : vector<16xf32>
          %mul3A_385 = arith.mulf %sub3A_382, %sub3A_382 : vector<16xf32>
          %add3A_386 = arith.addf %add3A_380, %mul3A_385 : vector<16xf32>
          %sub3A_387 = arith.subf %get3A_304, %get3A_278 : vector<16xf32>
          %sub3A_388 = arith.subf %get3A_343, %get3A_278 : vector<16xf32>
          %mul3A_389 = arith.mulf %sub3A_387, %sub3A_387 : vector<16xf32>
          %add3A_390 = arith.addf %add3A_384, %mul3A_389 : vector<16xf32>
          %mul3A_391 = arith.mulf %sub3A_388, %sub3A_388 : vector<16xf32>
          %add3A_392 = arith.addf %add3A_386, %mul3A_391 : vector<16xf32>
          %sub3A_393 = arith.subf %get3A_307, %get3A_281 : vector<16xf32>
          %sub3A_394 = arith.subf %get3A_346, %get3A_281 : vector<16xf32>
          %mul3A_395 = arith.mulf %sub3A_393, %sub3A_393 : vector<16xf32>
          %add3A_396 = arith.addf %add3A_390, %mul3A_395 : vector<16xf32>
          %mul3A_397 = arith.mulf %sub3A_394, %sub3A_394 : vector<16xf32>
          %add3A_398 = arith.addf %add3A_392, %mul3A_397 : vector<16xf32>
          %reduce_sum3A_399 = arith.constant true
          %reduce_sum3A_400 = vector.broadcast %reduce_sum3A_399 : i1 to vector<16xi1>
          %reduce_sum3A_401 = tpu.scan <sum>, %add3A_396 masked %reduce_sum3A_400 : vector<16xf32>, vector<16xi1> -> vector<16xf32>
          %reduce_sum3A_402 = vector.extract %reduce_sum3A_401[15] : f32 from vector<16xf32>
          %mul3A_403 = arith.constant 7.812500e-03 : f32
          %mul3A_404 = arith.mulf %reduce_sum3A_402, %mul3A_403 : f32
          %mul3A_405 = arith.mulf %reduce_sum3A_238, %mul3A_404 : f32
          %add3A_406 = arith.addf %scan3A_227, %mul3A_405 : f32
          %reduce_sum3A_407 = arith.constant true
          %reduce_sum3A_408 = vector.broadcast %reduce_sum3A_407 : i1 to vector<16xi1>
          %reduce_sum3A_409 = tpu.scan <sum>, %add3A_398 masked %reduce_sum3A_408 : vector<16xf32>, vector<16xi1> -> vector<16xf32>
          %reduce_sum3A_410 = vector.extract %reduce_sum3A_409[15] : f32 from vector<16xf32>
          %mul3A_411 = arith.constant 7.812500e-03 : f32
          %mul3A_412 = arith.mulf %reduce_sum3A_410, %mul3A_411 : f32
          %mul3A_413 = arith.mulf %reduce_sum3A_245, %mul3A_412 : f32
          %add3A_414 = arith.addf %scan3A_228, %mul3A_413 : f32
          scf.yield %add3A_406, %add3A_414 : f32, f32
        } else {
          scf.yield %scan3A_227, %scan3A_228 : f32, f32
        }
        %gt3A_315 = arith.constant 0.000000e+00 : f32
        %gt3A_316 = arith.cmpf ogt, %reduce_sum3A_252, %gt3A_315 : f32
        %convert_element_type3A_317 = arith.extui %gt3A_316 : i1 to i32
        %cond3A_318 = arith.constant 0 : i32
        %cond3A_319 = arith.cmpi ne, %convert_element_type3A_317, %cond3A_318 : i32
        %cond3A_320 = scf.if %cond3A_319 -> (f32) {
          %mul3A_321 = arith.mulf %get3A_286, %get3A_286 : vector<16xf32>
          %mul3A_322 = arith.mulf %get3A_289, %get3A_289 : vector<16xf32>
          %mul3A_323 = arith.mulf %get3A_292, %get3A_292 : vector<16xf32>
          %mul3A_324 = arith.mulf %get3A_295, %get3A_295 : vector<16xf32>
          %mul3A_325 = arith.mulf %get3A_298, %get3A_298 : vector<16xf32>
          %mul3A_326 = arith.mulf %get3A_301, %get3A_301 : vector<16xf32>
          %mul3A_327 = arith.mulf %get3A_304, %get3A_304 : vector<16xf32>
          %mul3A_328 = arith.mulf %get3A_307, %get3A_307 : vector<16xf32>
          %add3A_329 = arith.addf %mul3A_321, %mul3A_322 : vector<16xf32>
          %add3A_330 = arith.addf %add3A_329, %mul3A_323 : vector<16xf32>
          %add3A_331 = arith.addf %add3A_330, %mul3A_324 : vector<16xf32>
          %add3A_332 = arith.addf %add3A_331, %mul3A_325 : vector<16xf32>
          %add3A_333 = arith.addf %add3A_332, %mul3A_326 : vector<16xf32>
          %add3A_334 = arith.addf %add3A_333, %mul3A_327 : vector<16xf32>
          %add3A_335 = arith.addf %add3A_334, %mul3A_328 : vector<16xf32>
          %reduce_sum3A_336 = arith.constant true
          %reduce_sum3A_337 = vector.broadcast %reduce_sum3A_336 : i1 to vector<16xi1>
          %reduce_sum3A_338 = tpu.scan <sum>, %add3A_335 masked %reduce_sum3A_337 : vector<16xf32>, vector<16xi1> -> vector<16xf32>
          %reduce_sum3A_339 = vector.extract %reduce_sum3A_338[15] : f32 from vector<16xf32>
          %broadcast_in_dim3A_340 = vector.broadcast %reduce_sum3A_339 : f32 to vector<16xf32>
          %add3A_341 = arith.constant 9.99999971E-10 : f32
          %add3A_342 = vector.broadcast %add3A_341 : f32 to vector<16xf32>
          %add3A_343 = arith.addf %broadcast_in_dim3A_340, %add3A_342 : vector<16xf32>
          %div3A_344 = arith.constant 1.000000e+00 : f32
          %div3A_345 = vector.broadcast %div3A_344 : f32 to vector<16xf32>
          %div3A_346 = arith.divf %div3A_345, %add3A_343 : vector<16xf32>
          %broadcast_in_dim3A_347 = arith.constant 0.000000e+00 : f32
          %broadcast_in_dim3A_348 = vector.broadcast %broadcast_in_dim3A_347 : f32 to vector<16xf32>
          %mul3A_349 = arith.mulf %mul3A_321, %div3A_346 : vector<16xf32>
          %add3A_350 = arith.constant 9.99999971E-10 : f32
          %add3A_351 = vector.broadcast %add3A_350 : f32 to vector<16xf32>
          %add3A_352 = arith.addf %mul3A_349, %add3A_351 : vector<16xf32>
          %bitcast_convert_type3A = tpu.bitcast %add3A_352 : vector<16xf32> -> vector<16xi32>
          %shift_right_arithmetic3A = arith.constant 23 : i32
          %shift_right_arithmetic3A_353 = vector.broadcast %shift_right_arithmetic3A : i32 to vector<16xi32>
          %shift_right_arithmetic3A_354 = arith.shrsi %bitcast_convert_type3A, %shift_right_arithmetic3A_353 : vector<16xi32>
          %sub3A_355 = arith.constant 127 : i32
          %sub3A_356 = vector.broadcast %sub3A_355 : i32 to vector<16xi32>
          %sub3A_357 = arith.subi %shift_right_arithmetic3A_354, %sub3A_356 : vector<16xi32>
          %and3A_358 = arith.constant 8388607 : i32
          %and3A_359 = vector.broadcast %and3A_358 : i32 to vector<16xi32>
          %and3A_360 = arith.andi %bitcast_convert_type3A, %and3A_359 : vector<16xi32>
          %or3A = arith.constant 1065353216 : i32
          %or3A_361 = vector.broadcast %or3A : i32 to vector<16xi32>
          %or3A_362 = arith.ori %and3A_360, %or3A_361 : vector<16xi32>
          %bitcast_convert_type3A_363 = tpu.bitcast %or3A_362 : vector<16xi32> -> vector<16xf32>
          %ge3A_364 = arith.constant 1.41421354 : f32
          %ge3A_365 = vector.broadcast %ge3A_364 : f32 to vector<16xf32>
          %ge3A_366 = arith.cmpf oge, %bitcast_convert_type3A_363, %ge3A_365 : vector<16xf32>
          %mul3A_367 = arith.constant 5.000000e-01 : f32
          %mul3A_368 = vector.broadcast %mul3A_367 : f32 to vector<16xf32>
          %mul3A_369 = arith.mulf %bitcast_convert_type3A_363, %mul3A_368 : vector<16xf32>
          %select_n3A_370 = arith.select %ge3A_366, %mul3A_369, %bitcast_convert_type3A_363 : vector<16xi1>, vector<16xf32>
          %add3A_371 = arith.constant 1 : i32
          %add3A_372 = vector.broadcast %add3A_371 : i32 to vector<16xi32>
          %add3A_373 = arith.addi %sub3A_357, %add3A_372 : vector<16xi32>
          %select_n3A_374 = arith.select %ge3A_366, %add3A_373, %sub3A_357 : vector<16xi1>, vector<16xi32>
          %sub3A_375 = arith.constant 1.000000e+00 : f32
          %sub3A_376 = vector.broadcast %sub3A_375 : f32 to vector<16xf32>
          %sub3A_377 = arith.subf %select_n3A_370, %sub3A_376 : vector<16xf32>
          %add3A_378 = arith.constant 1.000000e+00 : f32
          %add3A_379 = vector.broadcast %add3A_378 : f32 to vector<16xf32>
          %add3A_380 = arith.addf %select_n3A_370, %add3A_379 : vector<16xf32>
          %div3A_381 = arith.divf %sub3A_377, %add3A_380 : vector<16xf32>
          %mul3A_382 = arith.mulf %div3A_381, %div3A_381 : vector<16xf32>
          %mul3A_383 = arith.constant 0.111111112 : f32
          %mul3A_384 = vector.broadcast %mul3A_383 : f32 to vector<16xf32>
          %mul3A_385 = arith.mulf %mul3A_382, %mul3A_384 : vector<16xf32>
          %add3A_386 = arith.constant 0.142857149 : f32
          %add3A_387 = vector.broadcast %add3A_386 : f32 to vector<16xf32>
          %add3A_388 = arith.addf %add3A_387, %mul3A_385 : vector<16xf32>
          %mul3A_389 = arith.mulf %mul3A_382, %add3A_388 : vector<16xf32>
          %add3A_390 = arith.constant 2.000000e-01 : f32
          %add3A_391 = vector.broadcast %add3A_390 : f32 to vector<16xf32>
          %add3A_392 = arith.addf %add3A_391, %mul3A_389 : vector<16xf32>
          %mul3A_393 = arith.mulf %mul3A_382, %add3A_392 : vector<16xf32>
          %add3A_394 = arith.constant 0.333333343 : f32
          %add3A_395 = vector.broadcast %add3A_394 : f32 to vector<16xf32>
          %add3A_396 = arith.addf %add3A_395, %mul3A_393 : vector<16xf32>
          %mul3A_397 = arith.mulf %mul3A_382, %add3A_396 : vector<16xf32>
          %add3A_398 = arith.constant 1.000000e+00 : f32
          %add3A_399 = vector.broadcast %add3A_398 : f32 to vector<16xf32>
          %add3A_400 = arith.addf %add3A_399, %mul3A_397 : vector<16xf32>
          %convert_element_type3A_401 = arith.sitofp %select_n3A_374 : vector<16xi32> to vector<16xf32>
          %mul3A_402 = arith.mulf %div3A_381, %add3A_400 : vector<16xf32>
          %mul3A_403 = arith.constant 2.885390e+00 : f32
          %mul3A_404 = vector.broadcast %mul3A_403 : f32 to vector<16xf32>
          %mul3A_405 = arith.mulf %mul3A_402, %mul3A_404 : vector<16xf32>
          %add3A_406 = arith.addf %convert_element_type3A_401, %mul3A_405 : vector<16xf32>
          %mul3A_407 = arith.mulf %mul3A_349, %add3A_406 : vector<16xf32>
          %add3A_408 = arith.addf %broadcast_in_dim3A_348, %mul3A_407 : vector<16xf32>
          %mul3A_409 = arith.mulf %mul3A_322, %div3A_346 : vector<16xf32>
          %add3A_410 = arith.constant 9.99999971E-10 : f32
          %add3A_411 = vector.broadcast %add3A_410 : f32 to vector<16xf32>
          %add3A_412 = arith.addf %mul3A_409, %add3A_411 : vector<16xf32>
          %bitcast_convert_type3A_413 = tpu.bitcast %add3A_412 : vector<16xf32> -> vector<16xi32>
          %shift_right_arithmetic3A_414 = arith.constant 23 : i32
          %shift_right_arithmetic3A_415 = vector.broadcast %shift_right_arithmetic3A_414 : i32 to vector<16xi32>
          %shift_right_arithmetic3A_416 = arith.shrsi %bitcast_convert_type3A_413, %shift_right_arithmetic3A_415 : vector<16xi32>
          %sub3A_417 = arith.constant 127 : i32
          %sub3A_418 = vector.broadcast %sub3A_417 : i32 to vector<16xi32>
          %sub3A_419 = arith.subi %shift_right_arithmetic3A_416, %sub3A_418 : vector<16xi32>
          %and3A_420 = arith.constant 8388607 : i32
          %and3A_421 = vector.broadcast %and3A_420 : i32 to vector<16xi32>
          %and3A_422 = arith.andi %bitcast_convert_type3A_413, %and3A_421 : vector<16xi32>
          %or3A_423 = arith.constant 1065353216 : i32
          %or3A_424 = vector.broadcast %or3A_423 : i32 to vector<16xi32>
          %or3A_425 = arith.ori %and3A_422, %or3A_424 : vector<16xi32>
          %bitcast_convert_type3A_426 = tpu.bitcast %or3A_425 : vector<16xi32> -> vector<16xf32>
          %ge3A_427 = arith.constant 1.41421354 : f32
          %ge3A_428 = vector.broadcast %ge3A_427 : f32 to vector<16xf32>
          %ge3A_429 = arith.cmpf oge, %bitcast_convert_type3A_426, %ge3A_428 : vector<16xf32>
          %mul3A_430 = arith.constant 5.000000e-01 : f32
          %mul3A_431 = vector.broadcast %mul3A_430 : f32 to vector<16xf32>
          %mul3A_432 = arith.mulf %bitcast_convert_type3A_426, %mul3A_431 : vector<16xf32>
          %select_n3A_433 = arith.select %ge3A_429, %mul3A_432, %bitcast_convert_type3A_426 : vector<16xi1>, vector<16xf32>
          %add3A_434 = arith.constant 1 : i32
          %add3A_435 = vector.broadcast %add3A_434 : i32 to vector<16xi32>
          %add3A_436 = arith.addi %sub3A_419, %add3A_435 : vector<16xi32>
          %select_n3A_437 = arith.select %ge3A_429, %add3A_436, %sub3A_419 : vector<16xi1>, vector<16xi32>
          %sub3A_438 = arith.constant 1.000000e+00 : f32
          %sub3A_439 = vector.broadcast %sub3A_438 : f32 to vector<16xf32>
          %sub3A_440 = arith.subf %select_n3A_433, %sub3A_439 : vector<16xf32>
          %add3A_441 = arith.constant 1.000000e+00 : f32
          %add3A_442 = vector.broadcast %add3A_441 : f32 to vector<16xf32>
          %add3A_443 = arith.addf %select_n3A_433, %add3A_442 : vector<16xf32>
          %div3A_444 = arith.divf %sub3A_440, %add3A_443 : vector<16xf32>
          %mul3A_445 = arith.mulf %div3A_444, %div3A_444 : vector<16xf32>
          %mul3A_446 = arith.constant 0.111111112 : f32
          %mul3A_447 = vector.broadcast %mul3A_446 : f32 to vector<16xf32>
          %mul3A_448 = arith.mulf %mul3A_445, %mul3A_447 : vector<16xf32>
          %add3A_449 = arith.constant 0.142857149 : f32
          %add3A_450 = vector.broadcast %add3A_449 : f32 to vector<16xf32>
          %add3A_451 = arith.addf %add3A_450, %mul3A_448 : vector<16xf32>
          %mul3A_452 = arith.mulf %mul3A_445, %add3A_451 : vector<16xf32>
          %add3A_453 = arith.constant 2.000000e-01 : f32
          %add3A_454 = vector.broadcast %add3A_453 : f32 to vector<16xf32>
          %add3A_455 = arith.addf %add3A_454, %mul3A_452 : vector<16xf32>
          %mul3A_456 = arith.mulf %mul3A_445, %add3A_455 : vector<16xf32>
          %add3A_457 = arith.constant 0.333333343 : f32
          %add3A_458 = vector.broadcast %add3A_457 : f32 to vector<16xf32>
          %add3A_459 = arith.addf %add3A_458, %mul3A_456 : vector<16xf32>
          %mul3A_460 = arith.mulf %mul3A_445, %add3A_459 : vector<16xf32>
          %add3A_461 = arith.constant 1.000000e+00 : f32
          %add3A_462 = vector.broadcast %add3A_461 : f32 to vector<16xf32>
          %add3A_463 = arith.addf %add3A_462, %mul3A_460 : vector<16xf32>
          %convert_element_type3A_464 = arith.sitofp %select_n3A_437 : vector<16xi32> to vector<16xf32>
          %mul3A_465 = arith.mulf %div3A_444, %add3A_463 : vector<16xf32>
          %mul3A_466 = arith.constant 2.885390e+00 : f32
          %mul3A_467 = vector.broadcast %mul3A_466 : f32 to vector<16xf32>
          %mul3A_468 = arith.mulf %mul3A_465, %mul3A_467 : vector<16xf32>
          %add3A_469 = arith.addf %convert_element_type3A_464, %mul3A_468 : vector<16xf32>
          %mul3A_470 = arith.mulf %mul3A_409, %add3A_469 : vector<16xf32>
          %add3A_471 = arith.addf %add3A_408, %mul3A_470 : vector<16xf32>
          %mul3A_472 = arith.mulf %mul3A_323, %div3A_346 : vector<16xf32>
          %add3A_473 = arith.constant 9.99999971E-10 : f32
          %add3A_474 = vector.broadcast %add3A_473 : f32 to vector<16xf32>
          %add3A_475 = arith.addf %mul3A_472, %add3A_474 : vector<16xf32>
          %bitcast_convert_type3A_476 = tpu.bitcast %add3A_475 : vector<16xf32> -> vector<16xi32>
          %shift_right_arithmetic3A_477 = arith.constant 23 : i32
          %shift_right_arithmetic3A_478 = vector.broadcast %shift_right_arithmetic3A_477 : i32 to vector<16xi32>
          %shift_right_arithmetic3A_479 = arith.shrsi %bitcast_convert_type3A_476, %shift_right_arithmetic3A_478 : vector<16xi32>
          %sub3A_480 = arith.constant 127 : i32
          %sub3A_481 = vector.broadcast %sub3A_480 : i32 to vector<16xi32>
          %sub3A_482 = arith.subi %shift_right_arithmetic3A_479, %sub3A_481 : vector<16xi32>
          %and3A_483 = arith.constant 8388607 : i32
          %and3A_484 = vector.broadcast %and3A_483 : i32 to vector<16xi32>
          %and3A_485 = arith.andi %bitcast_convert_type3A_476, %and3A_484 : vector<16xi32>
          %or3A_486 = arith.constant 1065353216 : i32
          %or3A_487 = vector.broadcast %or3A_486 : i32 to vector<16xi32>
          %or3A_488 = arith.ori %and3A_485, %or3A_487 : vector<16xi32>
          %bitcast_convert_type3A_489 = tpu.bitcast %or3A_488 : vector<16xi32> -> vector<16xf32>
          %ge3A_490 = arith.constant 1.41421354 : f32
          %ge3A_491 = vector.broadcast %ge3A_490 : f32 to vector<16xf32>
          %ge3A_492 = arith.cmpf oge, %bitcast_convert_type3A_489, %ge3A_491 : vector<16xf32>
          %mul3A_493 = arith.constant 5.000000e-01 : f32
          %mul3A_494 = vector.broadcast %mul3A_493 : f32 to vector<16xf32>
          %mul3A_495 = arith.mulf %bitcast_convert_type3A_489, %mul3A_494 : vector<16xf32>
          %select_n3A_496 = arith.select %ge3A_492, %mul3A_495, %bitcast_convert_type3A_489 : vector<16xi1>, vector<16xf32>
          %add3A_497 = arith.constant 1 : i32
          %add3A_498 = vector.broadcast %add3A_497 : i32 to vector<16xi32>
          %add3A_499 = arith.addi %sub3A_482, %add3A_498 : vector<16xi32>
          %select_n3A_500 = arith.select %ge3A_492, %add3A_499, %sub3A_482 : vector<16xi1>, vector<16xi32>
          %sub3A_501 = arith.constant 1.000000e+00 : f32
          %sub3A_502 = vector.broadcast %sub3A_501 : f32 to vector<16xf32>
          %sub3A_503 = arith.subf %select_n3A_496, %sub3A_502 : vector<16xf32>
          %add3A_504 = arith.constant 1.000000e+00 : f32
          %add3A_505 = vector.broadcast %add3A_504 : f32 to vector<16xf32>
          %add3A_506 = arith.addf %select_n3A_496, %add3A_505 : vector<16xf32>
          %div3A_507 = arith.divf %sub3A_503, %add3A_506 : vector<16xf32>
          %mul3A_508 = arith.mulf %div3A_507, %div3A_507 : vector<16xf32>
          %mul3A_509 = arith.constant 0.111111112 : f32
          %mul3A_510 = vector.broadcast %mul3A_509 : f32 to vector<16xf32>
          %mul3A_511 = arith.mulf %mul3A_508, %mul3A_510 : vector<16xf32>
          %add3A_512 = arith.constant 0.142857149 : f32
          %add3A_513 = vector.broadcast %add3A_512 : f32 to vector<16xf32>
          %add3A_514 = arith.addf %add3A_513, %mul3A_511 : vector<16xf32>
          %mul3A_515 = arith.mulf %mul3A_508, %add3A_514 : vector<16xf32>
          %add3A_516 = arith.constant 2.000000e-01 : f32
          %add3A_517 = vector.broadcast %add3A_516 : f32 to vector<16xf32>
          %add3A_518 = arith.addf %add3A_517, %mul3A_515 : vector<16xf32>
          %mul3A_519 = arith.mulf %mul3A_508, %add3A_518 : vector<16xf32>
          %add3A_520 = arith.constant 0.333333343 : f32
          %add3A_521 = vector.broadcast %add3A_520 : f32 to vector<16xf32>
          %add3A_522 = arith.addf %add3A_521, %mul3A_519 : vector<16xf32>
          %mul3A_523 = arith.mulf %mul3A_508, %add3A_522 : vector<16xf32>
          %add3A_524 = arith.constant 1.000000e+00 : f32
          %add3A_525 = vector.broadcast %add3A_524 : f32 to vector<16xf32>
          %add3A_526 = arith.addf %add3A_525, %mul3A_523 : vector<16xf32>
          %convert_element_type3A_527 = arith.sitofp %select_n3A_500 : vector<16xi32> to vector<16xf32>
          %mul3A_528 = arith.mulf %div3A_507, %add3A_526 : vector<16xf32>
          %mul3A_529 = arith.constant 2.885390e+00 : f32
          %mul3A_530 = vector.broadcast %mul3A_529 : f32 to vector<16xf32>
          %mul3A_531 = arith.mulf %mul3A_528, %mul3A_530 : vector<16xf32>
          %add3A_532 = arith.addf %convert_element_type3A_527, %mul3A_531 : vector<16xf32>
          %mul3A_533 = arith.mulf %mul3A_472, %add3A_532 : vector<16xf32>
          %add3A_534 = arith.addf %add3A_471, %mul3A_533 : vector<16xf32>
          %mul3A_535 = arith.mulf %mul3A_324, %div3A_346 : vector<16xf32>
          %add3A_536 = arith.constant 9.99999971E-10 : f32
          %add3A_537 = vector.broadcast %add3A_536 : f32 to vector<16xf32>
          %add3A_538 = arith.addf %mul3A_535, %add3A_537 : vector<16xf32>
          %bitcast_convert_type3A_539 = tpu.bitcast %add3A_538 : vector<16xf32> -> vector<16xi32>
          %shift_right_arithmetic3A_540 = arith.constant 23 : i32
          %shift_right_arithmetic3A_541 = vector.broadcast %shift_right_arithmetic3A_540 : i32 to vector<16xi32>
          %shift_right_arithmetic3A_542 = arith.shrsi %bitcast_convert_type3A_539, %shift_right_arithmetic3A_541 : vector<16xi32>
          %sub3A_543 = arith.constant 127 : i32
          %sub3A_544 = vector.broadcast %sub3A_543 : i32 to vector<16xi32>
          %sub3A_545 = arith.subi %shift_right_arithmetic3A_542, %sub3A_544 : vector<16xi32>
          %and3A_546 = arith.constant 8388607 : i32
          %and3A_547 = vector.broadcast %and3A_546 : i32 to vector<16xi32>
          %and3A_548 = arith.andi %bitcast_convert_type3A_539, %and3A_547 : vector<16xi32>
          %or3A_549 = arith.constant 1065353216 : i32
          %or3A_550 = vector.broadcast %or3A_549 : i32 to vector<16xi32>
          %or3A_551 = arith.ori %and3A_548, %or3A_550 : vector<16xi32>
          %bitcast_convert_type3A_552 = tpu.bitcast %or3A_551 : vector<16xi32> -> vector<16xf32>
          %ge3A_553 = arith.constant 1.41421354 : f32
          %ge3A_554 = vector.broadcast %ge3A_553 : f32 to vector<16xf32>
          %ge3A_555 = arith.cmpf oge, %bitcast_convert_type3A_552, %ge3A_554 : vector<16xf32>
          %mul3A_556 = arith.constant 5.000000e-01 : f32
          %mul3A_557 = vector.broadcast %mul3A_556 : f32 to vector<16xf32>
          %mul3A_558 = arith.mulf %bitcast_convert_type3A_552, %mul3A_557 : vector<16xf32>
          %select_n3A_559 = arith.select %ge3A_555, %mul3A_558, %bitcast_convert_type3A_552 : vector<16xi1>, vector<16xf32>
          %add3A_560 = arith.constant 1 : i32
          %add3A_561 = vector.broadcast %add3A_560 : i32 to vector<16xi32>
          %add3A_562 = arith.addi %sub3A_545, %add3A_561 : vector<16xi32>
          %select_n3A_563 = arith.select %ge3A_555, %add3A_562, %sub3A_545 : vector<16xi1>, vector<16xi32>
          %sub3A_564 = arith.constant 1.000000e+00 : f32
          %sub3A_565 = vector.broadcast %sub3A_564 : f32 to vector<16xf32>
          %sub3A_566 = arith.subf %select_n3A_559, %sub3A_565 : vector<16xf32>
          %add3A_567 = arith.constant 1.000000e+00 : f32
          %add3A_568 = vector.broadcast %add3A_567 : f32 to vector<16xf32>
          %add3A_569 = arith.addf %select_n3A_559, %add3A_568 : vector<16xf32>
          %div3A_570 = arith.divf %sub3A_566, %add3A_569 : vector<16xf32>
          %mul3A_571 = arith.mulf %div3A_570, %div3A_570 : vector<16xf32>
          %mul3A_572 = arith.constant 0.111111112 : f32
          %mul3A_573 = vector.broadcast %mul3A_572 : f32 to vector<16xf32>
          %mul3A_574 = arith.mulf %mul3A_571, %mul3A_573 : vector<16xf32>
          %add3A_575 = arith.constant 0.142857149 : f32
          %add3A_576 = vector.broadcast %add3A_575 : f32 to vector<16xf32>
          %add3A_577 = arith.addf %add3A_576, %mul3A_574 : vector<16xf32>
          %mul3A_578 = arith.mulf %mul3A_571, %add3A_577 : vector<16xf32>
          %add3A_579 = arith.constant 2.000000e-01 : f32
          %add3A_580 = vector.broadcast %add3A_579 : f32 to vector<16xf32>
          %add3A_581 = arith.addf %add3A_580, %mul3A_578 : vector<16xf32>
          %mul3A_582 = arith.mulf %mul3A_571, %add3A_581 : vector<16xf32>
          %add3A_583 = arith.constant 0.333333343 : f32
          %add3A_584 = vector.broadcast %add3A_583 : f32 to vector<16xf32>
          %add3A_585 = arith.addf %add3A_584, %mul3A_582 : vector<16xf32>
          %mul3A_586 = arith.mulf %mul3A_571, %add3A_585 : vector<16xf32>
          %add3A_587 = arith.constant 1.000000e+00 : f32
          %add3A_588 = vector.broadcast %add3A_587 : f32 to vector<16xf32>
          %add3A_589 = arith.addf %add3A_588, %mul3A_586 : vector<16xf32>
          %convert_element_type3A_590 = arith.sitofp %select_n3A_563 : vector<16xi32> to vector<16xf32>
          %mul3A_591 = arith.mulf %div3A_570, %add3A_589 : vector<16xf32>
          %mul3A_592 = arith.constant 2.885390e+00 : f32
          %mul3A_593 = vector.broadcast %mul3A_592 : f32 to vector<16xf32>
          %mul3A_594 = arith.mulf %mul3A_591, %mul3A_593 : vector<16xf32>
          %add3A_595 = arith.addf %convert_element_type3A_590, %mul3A_594 : vector<16xf32>
          %mul3A_596 = arith.mulf %mul3A_535, %add3A_595 : vector<16xf32>
          %add3A_597 = arith.addf %add3A_534, %mul3A_596 : vector<16xf32>
          %mul3A_598 = arith.mulf %mul3A_325, %div3A_346 : vector<16xf32>
          %add3A_599 = arith.constant 9.99999971E-10 : f32
          %add3A_600 = vector.broadcast %add3A_599 : f32 to vector<16xf32>
          %add3A_601 = arith.addf %mul3A_598, %add3A_600 : vector<16xf32>
          %bitcast_convert_type3A_602 = tpu.bitcast %add3A_601 : vector<16xf32> -> vector<16xi32>
          %shift_right_arithmetic3A_603 = arith.constant 23 : i32
          %shift_right_arithmetic3A_604 = vector.broadcast %shift_right_arithmetic3A_603 : i32 to vector<16xi32>
          %shift_right_arithmetic3A_605 = arith.shrsi %bitcast_convert_type3A_602, %shift_right_arithmetic3A_604 : vector<16xi32>
          %sub3A_606 = arith.constant 127 : i32
          %sub3A_607 = vector.broadcast %sub3A_606 : i32 to vector<16xi32>
          %sub3A_608 = arith.subi %shift_right_arithmetic3A_605, %sub3A_607 : vector<16xi32>
          %and3A_609 = arith.constant 8388607 : i32
          %and3A_610 = vector.broadcast %and3A_609 : i32 to vector<16xi32>
          %and3A_611 = arith.andi %bitcast_convert_type3A_602, %and3A_610 : vector<16xi32>
          %or3A_612 = arith.constant 1065353216 : i32
          %or3A_613 = vector.broadcast %or3A_612 : i32 to vector<16xi32>
          %or3A_614 = arith.ori %and3A_611, %or3A_613 : vector<16xi32>
          %bitcast_convert_type3A_615 = tpu.bitcast %or3A_614 : vector<16xi32> -> vector<16xf32>
          %ge3A_616 = arith.constant 1.41421354 : f32
          %ge3A_617 = vector.broadcast %ge3A_616 : f32 to vector<16xf32>
          %ge3A_618 = arith.cmpf oge, %bitcast_convert_type3A_615, %ge3A_617 : vector<16xf32>
          %mul3A_619 = arith.constant 5.000000e-01 : f32
          %mul3A_620 = vector.broadcast %mul3A_619 : f32 to vector<16xf32>
          %mul3A_621 = arith.mulf %bitcast_convert_type3A_615, %mul3A_620 : vector<16xf32>
          %select_n3A_622 = arith.select %ge3A_618, %mul3A_621, %bitcast_convert_type3A_615 : vector<16xi1>, vector<16xf32>
          %add3A_623 = arith.constant 1 : i32
          %add3A_624 = vector.broadcast %add3A_623 : i32 to vector<16xi32>
          %add3A_625 = arith.addi %sub3A_608, %add3A_624 : vector<16xi32>
          %select_n3A_626 = arith.select %ge3A_618, %add3A_625, %sub3A_608 : vector<16xi1>, vector<16xi32>
          %sub3A_627 = arith.constant 1.000000e+00 : f32
          %sub3A_628 = vector.broadcast %sub3A_627 : f32 to vector<16xf32>
          %sub3A_629 = arith.subf %select_n3A_622, %sub3A_628 : vector<16xf32>
          %add3A_630 = arith.constant 1.000000e+00 : f32
          %add3A_631 = vector.broadcast %add3A_630 : f32 to vector<16xf32>
          %add3A_632 = arith.addf %select_n3A_622, %add3A_631 : vector<16xf32>
          %div3A_633 = arith.divf %sub3A_629, %add3A_632 : vector<16xf32>
          %mul3A_634 = arith.mulf %div3A_633, %div3A_633 : vector<16xf32>
          %mul3A_635 = arith.constant 0.111111112 : f32
          %mul3A_636 = vector.broadcast %mul3A_635 : f32 to vector<16xf32>
          %mul3A_637 = arith.mulf %mul3A_634, %mul3A_636 : vector<16xf32>
          %add3A_638 = arith.constant 0.142857149 : f32
          %add3A_639 = vector.broadcast %add3A_638 : f32 to vector<16xf32>
          %add3A_640 = arith.addf %add3A_639, %mul3A_637 : vector<16xf32>
          %mul3A_641 = arith.mulf %mul3A_634, %add3A_640 : vector<16xf32>
          %add3A_642 = arith.constant 2.000000e-01 : f32
          %add3A_643 = vector.broadcast %add3A_642 : f32 to vector<16xf32>
          %add3A_644 = arith.addf %add3A_643, %mul3A_641 : vector<16xf32>
          %mul3A_645 = arith.mulf %mul3A_634, %add3A_644 : vector<16xf32>
          %add3A_646 = arith.constant 0.333333343 : f32
          %add3A_647 = vector.broadcast %add3A_646 : f32 to vector<16xf32>
          %add3A_648 = arith.addf %add3A_647, %mul3A_645 : vector<16xf32>
          %mul3A_649 = arith.mulf %mul3A_634, %add3A_648 : vector<16xf32>
          %add3A_650 = arith.constant 1.000000e+00 : f32
          %add3A_651 = vector.broadcast %add3A_650 : f32 to vector<16xf32>
          %add3A_652 = arith.addf %add3A_651, %mul3A_649 : vector<16xf32>
          %convert_element_type3A_653 = arith.sitofp %select_n3A_626 : vector<16xi32> to vector<16xf32>
          %mul3A_654 = arith.mulf %div3A_633, %add3A_652 : vector<16xf32>
          %mul3A_655 = arith.constant 2.885390e+00 : f32
          %mul3A_656 = vector.broadcast %mul3A_655 : f32 to vector<16xf32>
          %mul3A_657 = arith.mulf %mul3A_654, %mul3A_656 : vector<16xf32>
          %add3A_658 = arith.addf %convert_element_type3A_653, %mul3A_657 : vector<16xf32>
          %mul3A_659 = arith.mulf %mul3A_598, %add3A_658 : vector<16xf32>
          %add3A_660 = arith.addf %add3A_597, %mul3A_659 : vector<16xf32>
          %mul3A_661 = arith.mulf %mul3A_326, %div3A_346 : vector<16xf32>
          %add3A_662 = arith.constant 9.99999971E-10 : f32
          %add3A_663 = vector.broadcast %add3A_662 : f32 to vector<16xf32>
          %add3A_664 = arith.addf %mul3A_661, %add3A_663 : vector<16xf32>
          %bitcast_convert_type3A_665 = tpu.bitcast %add3A_664 : vector<16xf32> -> vector<16xi32>
          %shift_right_arithmetic3A_666 = arith.constant 23 : i32
          %shift_right_arithmetic3A_667 = vector.broadcast %shift_right_arithmetic3A_666 : i32 to vector<16xi32>
          %shift_right_arithmetic3A_668 = arith.shrsi %bitcast_convert_type3A_665, %shift_right_arithmetic3A_667 : vector<16xi32>
          %sub3A_669 = arith.constant 127 : i32
          %sub3A_670 = vector.broadcast %sub3A_669 : i32 to vector<16xi32>
          %sub3A_671 = arith.subi %shift_right_arithmetic3A_668, %sub3A_670 : vector<16xi32>
          %and3A_672 = arith.constant 8388607 : i32
          %and3A_673 = vector.broadcast %and3A_672 : i32 to vector<16xi32>
          %and3A_674 = arith.andi %bitcast_convert_type3A_665, %and3A_673 : vector<16xi32>
          %or3A_675 = arith.constant 1065353216 : i32
          %or3A_676 = vector.broadcast %or3A_675 : i32 to vector<16xi32>
          %or3A_677 = arith.ori %and3A_674, %or3A_676 : vector<16xi32>
          %bitcast_convert_type3A_678 = tpu.bitcast %or3A_677 : vector<16xi32> -> vector<16xf32>
          %ge3A_679 = arith.constant 1.41421354 : f32
          %ge3A_680 = vector.broadcast %ge3A_679 : f32 to vector<16xf32>
          %ge3A_681 = arith.cmpf oge, %bitcast_convert_type3A_678, %ge3A_680 : vector<16xf32>
          %mul3A_682 = arith.constant 5.000000e-01 : f32
          %mul3A_683 = vector.broadcast %mul3A_682 : f32 to vector<16xf32>
          %mul3A_684 = arith.mulf %bitcast_convert_type3A_678, %mul3A_683 : vector<16xf32>
          %select_n3A_685 = arith.select %ge3A_681, %mul3A_684, %bitcast_convert_type3A_678 : vector<16xi1>, vector<16xf32>
          %add3A_686 = arith.constant 1 : i32
          %add3A_687 = vector.broadcast %add3A_686 : i32 to vector<16xi32>
          %add3A_688 = arith.addi %sub3A_671, %add3A_687 : vector<16xi32>
          %select_n3A_689 = arith.select %ge3A_681, %add3A_688, %sub3A_671 : vector<16xi1>, vector<16xi32>
          %sub3A_690 = arith.constant 1.000000e+00 : f32
          %sub3A_691 = vector.broadcast %sub3A_690 : f32 to vector<16xf32>
          %sub3A_692 = arith.subf %select_n3A_685, %sub3A_691 : vector<16xf32>
          %add3A_693 = arith.constant 1.000000e+00 : f32
          %add3A_694 = vector.broadcast %add3A_693 : f32 to vector<16xf32>
          %add3A_695 = arith.addf %select_n3A_685, %add3A_694 : vector<16xf32>
          %div3A_696 = arith.divf %sub3A_692, %add3A_695 : vector<16xf32>
          %mul3A_697 = arith.mulf %div3A_696, %div3A_696 : vector<16xf32>
          %mul3A_698 = arith.constant 0.111111112 : f32
          %mul3A_699 = vector.broadcast %mul3A_698 : f32 to vector<16xf32>
          %mul3A_700 = arith.mulf %mul3A_697, %mul3A_699 : vector<16xf32>
          %add3A_701 = arith.constant 0.142857149 : f32
          %add3A_702 = vector.broadcast %add3A_701 : f32 to vector<16xf32>
          %add3A_703 = arith.addf %add3A_702, %mul3A_700 : vector<16xf32>
          %mul3A_704 = arith.mulf %mul3A_697, %add3A_703 : vector<16xf32>
          %add3A_705 = arith.constant 2.000000e-01 : f32
          %add3A_706 = vector.broadcast %add3A_705 : f32 to vector<16xf32>
          %add3A_707 = arith.addf %add3A_706, %mul3A_704 : vector<16xf32>
          %mul3A_708 = arith.mulf %mul3A_697, %add3A_707 : vector<16xf32>
          %add3A_709 = arith.constant 0.333333343 : f32
          %add3A_710 = vector.broadcast %add3A_709 : f32 to vector<16xf32>
          %add3A_711 = arith.addf %add3A_710, %mul3A_708 : vector<16xf32>
          %mul3A_712 = arith.mulf %mul3A_697, %add3A_711 : vector<16xf32>
          %add3A_713 = arith.constant 1.000000e+00 : f32
          %add3A_714 = vector.broadcast %add3A_713 : f32 to vector<16xf32>
          %add3A_715 = arith.addf %add3A_714, %mul3A_712 : vector<16xf32>
          %convert_element_type3A_716 = arith.sitofp %select_n3A_689 : vector<16xi32> to vector<16xf32>
          %mul3A_717 = arith.mulf %div3A_696, %add3A_715 : vector<16xf32>
          %mul3A_718 = arith.constant 2.885390e+00 : f32
          %mul3A_719 = vector.broadcast %mul3A_718 : f32 to vector<16xf32>
          %mul3A_720 = arith.mulf %mul3A_717, %mul3A_719 : vector<16xf32>
          %add3A_721 = arith.addf %convert_element_type3A_716, %mul3A_720 : vector<16xf32>
          %mul3A_722 = arith.mulf %mul3A_661, %add3A_721 : vector<16xf32>
          %add3A_723 = arith.addf %add3A_660, %mul3A_722 : vector<16xf32>
          %mul3A_724 = arith.mulf %mul3A_327, %div3A_346 : vector<16xf32>
          %add3A_725 = arith.constant 9.99999971E-10 : f32
          %add3A_726 = vector.broadcast %add3A_725 : f32 to vector<16xf32>
          %add3A_727 = arith.addf %mul3A_724, %add3A_726 : vector<16xf32>
          %bitcast_convert_type3A_728 = tpu.bitcast %add3A_727 : vector<16xf32> -> vector<16xi32>
          %shift_right_arithmetic3A_729 = arith.constant 23 : i32
          %shift_right_arithmetic3A_730 = vector.broadcast %shift_right_arithmetic3A_729 : i32 to vector<16xi32>
          %shift_right_arithmetic3A_731 = arith.shrsi %bitcast_convert_type3A_728, %shift_right_arithmetic3A_730 : vector<16xi32>
          %sub3A_732 = arith.constant 127 : i32
          %sub3A_733 = vector.broadcast %sub3A_732 : i32 to vector<16xi32>
          %sub3A_734 = arith.subi %shift_right_arithmetic3A_731, %sub3A_733 : vector<16xi32>
          %and3A_735 = arith.constant 8388607 : i32
          %and3A_736 = vector.broadcast %and3A_735 : i32 to vector<16xi32>
          %and3A_737 = arith.andi %bitcast_convert_type3A_728, %and3A_736 : vector<16xi32>
          %or3A_738 = arith.constant 1065353216 : i32
          %or3A_739 = vector.broadcast %or3A_738 : i32 to vector<16xi32>
          %or3A_740 = arith.ori %and3A_737, %or3A_739 : vector<16xi32>
          %bitcast_convert_type3A_741 = tpu.bitcast %or3A_740 : vector<16xi32> -> vector<16xf32>
          %ge3A_742 = arith.constant 1.41421354 : f32
          %ge3A_743 = vector.broadcast %ge3A_742 : f32 to vector<16xf32>
          %ge3A_744 = arith.cmpf oge, %bitcast_convert_type3A_741, %ge3A_743 : vector<16xf32>
          %mul3A_745 = arith.constant 5.000000e-01 : f32
          %mul3A_746 = vector.broadcast %mul3A_745 : f32 to vector<16xf32>
          %mul3A_747 = arith.mulf %bitcast_convert_type3A_741, %mul3A_746 : vector<16xf32>
          %select_n3A_748 = arith.select %ge3A_744, %mul3A_747, %bitcast_convert_type3A_741 : vector<16xi1>, vector<16xf32>
          %add3A_749 = arith.constant 1 : i32
          %add3A_750 = vector.broadcast %add3A_749 : i32 to vector<16xi32>
          %add3A_751 = arith.addi %sub3A_734, %add3A_750 : vector<16xi32>
          %select_n3A_752 = arith.select %ge3A_744, %add3A_751, %sub3A_734 : vector<16xi1>, vector<16xi32>
          %sub3A_753 = arith.constant 1.000000e+00 : f32
          %sub3A_754 = vector.broadcast %sub3A_753 : f32 to vector<16xf32>
          %sub3A_755 = arith.subf %select_n3A_748, %sub3A_754 : vector<16xf32>
          %add3A_756 = arith.constant 1.000000e+00 : f32
          %add3A_757 = vector.broadcast %add3A_756 : f32 to vector<16xf32>
          %add3A_758 = arith.addf %select_n3A_748, %add3A_757 : vector<16xf32>
          %div3A_759 = arith.divf %sub3A_755, %add3A_758 : vector<16xf32>
          %mul3A_760 = arith.mulf %div3A_759, %div3A_759 : vector<16xf32>
          %mul3A_761 = arith.constant 0.111111112 : f32
          %mul3A_762 = vector.broadcast %mul3A_761 : f32 to vector<16xf32>
          %mul3A_763 = arith.mulf %mul3A_760, %mul3A_762 : vector<16xf32>
          %add3A_764 = arith.constant 0.142857149 : f32
          %add3A_765 = vector.broadcast %add3A_764 : f32 to vector<16xf32>
          %add3A_766 = arith.addf %add3A_765, %mul3A_763 : vector<16xf32>
          %mul3A_767 = arith.mulf %mul3A_760, %add3A_766 : vector<16xf32>
          %add3A_768 = arith.constant 2.000000e-01 : f32
          %add3A_769 = vector.broadcast %add3A_768 : f32 to vector<16xf32>
          %add3A_770 = arith.addf %add3A_769, %mul3A_767 : vector<16xf32>
          %mul3A_771 = arith.mulf %mul3A_760, %add3A_770 : vector<16xf32>
          %add3A_772 = arith.constant 0.333333343 : f32
          %add3A_773 = vector.broadcast %add3A_772 : f32 to vector<16xf32>
          %add3A_774 = arith.addf %add3A_773, %mul3A_771 : vector<16xf32>
          %mul3A_775 = arith.mulf %mul3A_760, %add3A_774 : vector<16xf32>
          %add3A_776 = arith.constant 1.000000e+00 : f32
          %add3A_777 = vector.broadcast %add3A_776 : f32 to vector<16xf32>
          %add3A_778 = arith.addf %add3A_777, %mul3A_775 : vector<16xf32>
          %convert_element_type3A_779 = arith.sitofp %select_n3A_752 : vector<16xi32> to vector<16xf32>
          %mul3A_780 = arith.mulf %div3A_759, %add3A_778 : vector<16xf32>
          %mul3A_781 = arith.constant 2.885390e+00 : f32
          %mul3A_782 = vector.broadcast %mul3A_781 : f32 to vector<16xf32>
          %mul3A_783 = arith.mulf %mul3A_780, %mul3A_782 : vector<16xf32>
          %add3A_784 = arith.addf %convert_element_type3A_779, %mul3A_783 : vector<16xf32>
          %mul3A_785 = arith.mulf %mul3A_724, %add3A_784 : vector<16xf32>
          %add3A_786 = arith.addf %add3A_723, %mul3A_785 : vector<16xf32>
          %mul3A_787 = arith.mulf %mul3A_328, %div3A_346 : vector<16xf32>
          %add3A_788 = arith.constant 9.99999971E-10 : f32
          %add3A_789 = vector.broadcast %add3A_788 : f32 to vector<16xf32>
          %add3A_790 = arith.addf %mul3A_787, %add3A_789 : vector<16xf32>
          %bitcast_convert_type3A_791 = tpu.bitcast %add3A_790 : vector<16xf32> -> vector<16xi32>
          %shift_right_arithmetic3A_792 = arith.constant 23 : i32
          %shift_right_arithmetic3A_793 = vector.broadcast %shift_right_arithmetic3A_792 : i32 to vector<16xi32>
          %shift_right_arithmetic3A_794 = arith.shrsi %bitcast_convert_type3A_791, %shift_right_arithmetic3A_793 : vector<16xi32>
          %sub3A_795 = arith.constant 127 : i32
          %sub3A_796 = vector.broadcast %sub3A_795 : i32 to vector<16xi32>
          %sub3A_797 = arith.subi %shift_right_arithmetic3A_794, %sub3A_796 : vector<16xi32>
          %and3A_798 = arith.constant 8388607 : i32
          %and3A_799 = vector.broadcast %and3A_798 : i32 to vector<16xi32>
          %and3A_800 = arith.andi %bitcast_convert_type3A_791, %and3A_799 : vector<16xi32>
          %or3A_801 = arith.constant 1065353216 : i32
          %or3A_802 = vector.broadcast %or3A_801 : i32 to vector<16xi32>
          %or3A_803 = arith.ori %and3A_800, %or3A_802 : vector<16xi32>
          %bitcast_convert_type3A_804 = tpu.bitcast %or3A_803 : vector<16xi32> -> vector<16xf32>
          %ge3A_805 = arith.constant 1.41421354 : f32
          %ge3A_806 = vector.broadcast %ge3A_805 : f32 to vector<16xf32>
          %ge3A_807 = arith.cmpf oge, %bitcast_convert_type3A_804, %ge3A_806 : vector<16xf32>
          %mul3A_808 = arith.constant 5.000000e-01 : f32
          %mul3A_809 = vector.broadcast %mul3A_808 : f32 to vector<16xf32>
          %mul3A_810 = arith.mulf %bitcast_convert_type3A_804, %mul3A_809 : vector<16xf32>
          %select_n3A_811 = arith.select %ge3A_807, %mul3A_810, %bitcast_convert_type3A_804 : vector<16xi1>, vector<16xf32>
          %add3A_812 = arith.constant 1 : i32
          %add3A_813 = vector.broadcast %add3A_812 : i32 to vector<16xi32>
          %add3A_814 = arith.addi %sub3A_797, %add3A_813 : vector<16xi32>
          %select_n3A_815 = arith.select %ge3A_807, %add3A_814, %sub3A_797 : vector<16xi1>, vector<16xi32>
          %sub3A_816 = arith.constant 1.000000e+00 : f32
          %sub3A_817 = vector.broadcast %sub3A_816 : f32 to vector<16xf32>
          %sub3A_818 = arith.subf %select_n3A_811, %sub3A_817 : vector<16xf32>
          %add3A_819 = arith.constant 1.000000e+00 : f32
          %add3A_820 = vector.broadcast %add3A_819 : f32 to vector<16xf32>
          %add3A_821 = arith.addf %select_n3A_811, %add3A_820 : vector<16xf32>
          %div3A_822 = arith.divf %sub3A_818, %add3A_821 : vector<16xf32>
          %mul3A_823 = arith.mulf %div3A_822, %div3A_822 : vector<16xf32>
          %mul3A_824 = arith.constant 0.111111112 : f32
          %mul3A_825 = vector.broadcast %mul3A_824 : f32 to vector<16xf32>
          %mul3A_826 = arith.mulf %mul3A_823, %mul3A_825 : vector<16xf32>
          %add3A_827 = arith.constant 0.142857149 : f32
          %add3A_828 = vector.broadcast %add3A_827 : f32 to vector<16xf32>
          %add3A_829 = arith.addf %add3A_828, %mul3A_826 : vector<16xf32>
          %mul3A_830 = arith.mulf %mul3A_823, %add3A_829 : vector<16xf32>
          %add3A_831 = arith.constant 2.000000e-01 : f32
          %add3A_832 = vector.broadcast %add3A_831 : f32 to vector<16xf32>
          %add3A_833 = arith.addf %add3A_832, %mul3A_830 : vector<16xf32>
          %mul3A_834 = arith.mulf %mul3A_823, %add3A_833 : vector<16xf32>
          %add3A_835 = arith.constant 0.333333343 : f32
          %add3A_836 = vector.broadcast %add3A_835 : f32 to vector<16xf32>
          %add3A_837 = arith.addf %add3A_836, %mul3A_834 : vector<16xf32>
          %mul3A_838 = arith.mulf %mul3A_823, %add3A_837 : vector<16xf32>
          %add3A_839 = arith.constant 1.000000e+00 : f32
          %add3A_840 = vector.broadcast %add3A_839 : f32 to vector<16xf32>
          %add3A_841 = arith.addf %add3A_840, %mul3A_838 : vector<16xf32>
          %convert_element_type3A_842 = arith.sitofp %select_n3A_815 : vector<16xi32> to vector<16xf32>
          %mul3A_843 = arith.mulf %div3A_822, %add3A_841 : vector<16xf32>
          %mul3A_844 = arith.constant 2.885390e+00 : f32
          %mul3A_845 = vector.broadcast %mul3A_844 : f32 to vector<16xf32>
          %mul3A_846 = arith.mulf %mul3A_843, %mul3A_845 : vector<16xf32>
          %add3A_847 = arith.addf %convert_element_type3A_842, %mul3A_846 : vector<16xf32>
          %mul3A_848 = arith.mulf %mul3A_787, %add3A_847 : vector<16xf32>
          %add3A_849 = arith.addf %add3A_786, %mul3A_848 : vector<16xf32>
          %reduce_sum3A_850 = arith.constant true
          %reduce_sum3A_851 = vector.broadcast %reduce_sum3A_850 : i1 to vector<16xi1>
          %reduce_sum3A_852 = tpu.scan <sum>, %add3A_849 masked %reduce_sum3A_851 : vector<16xf32>, vector<16xi1> -> vector<16xf32>
          %reduce_sum3A_853 = vector.extract %reduce_sum3A_852[15] : f32 from vector<16xf32>
          %neg3A = arith.constant 0.000000e+00 : f32
          %neg3A_854 = arith.subf %neg3A, %reduce_sum3A_853 : f32
          %mul3A_855 = arith.mulf %get3A_260, %get3A_260 : vector<16xf32>
          %mul3A_856 = arith.mulf %get3A_263, %get3A_263 : vector<16xf32>
          %mul3A_857 = arith.mulf %get3A_266, %get3A_266 : vector<16xf32>
          %mul3A_858 = arith.mulf %get3A_269, %get3A_269 : vector<16xf32>
          %mul3A_859 = arith.mulf %get3A_272, %get3A_272 : vector<16xf32>
          %mul3A_860 = arith.mulf %get3A_275, %get3A_275 : vector<16xf32>
          %mul3A_861 = arith.mulf %get3A_278, %get3A_278 : vector<16xf32>
          %mul3A_862 = arith.mulf %get3A_281, %get3A_281 : vector<16xf32>
          %add3A_863 = arith.addf %mul3A_855, %mul3A_856 : vector<16xf32>
          %add3A_864 = arith.addf %add3A_863, %mul3A_857 : vector<16xf32>
          %add3A_865 = arith.addf %add3A_864, %mul3A_858 : vector<16xf32>
          %add3A_866 = arith.addf %add3A_865, %mul3A_859 : vector<16xf32>
          %add3A_867 = arith.addf %add3A_866, %mul3A_860 : vector<16xf32>
          %add3A_868 = arith.addf %add3A_867, %mul3A_861 : vector<16xf32>
          %add3A_869 = arith.addf %add3A_868, %mul3A_862 : vector<16xf32>
          %reduce_sum3A_870 = arith.constant true
          %reduce_sum3A_871 = vector.broadcast %reduce_sum3A_870 : i1 to vector<16xi1>
          %reduce_sum3A_872 = tpu.scan <sum>, %add3A_869 masked %reduce_sum3A_871 : vector<16xf32>, vector<16xi1> -> vector<16xf32>
          %reduce_sum3A_873 = vector.extract %reduce_sum3A_872[15] : f32 from vector<16xf32>
          %broadcast_in_dim3A_874 = vector.broadcast %reduce_sum3A_873 : f32 to vector<16xf32>
          %add3A_875 = arith.constant 9.99999971E-10 : f32
          %add3A_876 = vector.broadcast %add3A_875 : f32 to vector<16xf32>
          %add3A_877 = arith.addf %broadcast_in_dim3A_874, %add3A_876 : vector<16xf32>
          %div3A_878 = arith.constant 1.000000e+00 : f32
          %div3A_879 = vector.broadcast %div3A_878 : f32 to vector<16xf32>
          %div3A_880 = arith.divf %div3A_879, %add3A_877 : vector<16xf32>
          %broadcast_in_dim3A_881 = arith.constant 0.000000e+00 : f32
          %broadcast_in_dim3A_882 = vector.broadcast %broadcast_in_dim3A_881 : f32 to vector<16xf32>
          %mul3A_883 = arith.mulf %mul3A_855, %div3A_880 : vector<16xf32>
          %add3A_884 = arith.constant 9.99999971E-10 : f32
          %add3A_885 = vector.broadcast %add3A_884 : f32 to vector<16xf32>
          %add3A_886 = arith.addf %mul3A_883, %add3A_885 : vector<16xf32>
          %bitcast_convert_type3A_887 = tpu.bitcast %add3A_886 : vector<16xf32> -> vector<16xi32>
          %shift_right_arithmetic3A_888 = arith.constant 23 : i32
          %shift_right_arithmetic3A_889 = vector.broadcast %shift_right_arithmetic3A_888 : i32 to vector<16xi32>
          %shift_right_arithmetic3A_890 = arith.shrsi %bitcast_convert_type3A_887, %shift_right_arithmetic3A_889 : vector<16xi32>
          %sub3A_891 = arith.constant 127 : i32
          %sub3A_892 = vector.broadcast %sub3A_891 : i32 to vector<16xi32>
          %sub3A_893 = arith.subi %shift_right_arithmetic3A_890, %sub3A_892 : vector<16xi32>
          %and3A_894 = arith.constant 8388607 : i32
          %and3A_895 = vector.broadcast %and3A_894 : i32 to vector<16xi32>
          %and3A_896 = arith.andi %bitcast_convert_type3A_887, %and3A_895 : vector<16xi32>
          %or3A_897 = arith.constant 1065353216 : i32
          %or3A_898 = vector.broadcast %or3A_897 : i32 to vector<16xi32>
          %or3A_899 = arith.ori %and3A_896, %or3A_898 : vector<16xi32>
          %bitcast_convert_type3A_900 = tpu.bitcast %or3A_899 : vector<16xi32> -> vector<16xf32>
          %ge3A_901 = arith.constant 1.41421354 : f32
          %ge3A_902 = vector.broadcast %ge3A_901 : f32 to vector<16xf32>
          %ge3A_903 = arith.cmpf oge, %bitcast_convert_type3A_900, %ge3A_902 : vector<16xf32>
          %mul3A_904 = arith.constant 5.000000e-01 : f32
          %mul3A_905 = vector.broadcast %mul3A_904 : f32 to vector<16xf32>
          %mul3A_906 = arith.mulf %bitcast_convert_type3A_900, %mul3A_905 : vector<16xf32>
          %select_n3A_907 = arith.select %ge3A_903, %mul3A_906, %bitcast_convert_type3A_900 : vector<16xi1>, vector<16xf32>
          %add3A_908 = arith.constant 1 : i32
          %add3A_909 = vector.broadcast %add3A_908 : i32 to vector<16xi32>
          %add3A_910 = arith.addi %sub3A_893, %add3A_909 : vector<16xi32>
          %select_n3A_911 = arith.select %ge3A_903, %add3A_910, %sub3A_893 : vector<16xi1>, vector<16xi32>
          %sub3A_912 = arith.constant 1.000000e+00 : f32
          %sub3A_913 = vector.broadcast %sub3A_912 : f32 to vector<16xf32>
          %sub3A_914 = arith.subf %select_n3A_907, %sub3A_913 : vector<16xf32>
          %add3A_915 = arith.constant 1.000000e+00 : f32
          %add3A_916 = vector.broadcast %add3A_915 : f32 to vector<16xf32>
          %add3A_917 = arith.addf %select_n3A_907, %add3A_916 : vector<16xf32>
          %div3A_918 = arith.divf %sub3A_914, %add3A_917 : vector<16xf32>
          %mul3A_919 = arith.mulf %div3A_918, %div3A_918 : vector<16xf32>
          %mul3A_920 = arith.constant 0.111111112 : f32
          %mul3A_921 = vector.broadcast %mul3A_920 : f32 to vector<16xf32>
          %mul3A_922 = arith.mulf %mul3A_919, %mul3A_921 : vector<16xf32>
          %add3A_923 = arith.constant 0.142857149 : f32
          %add3A_924 = vector.broadcast %add3A_923 : f32 to vector<16xf32>
          %add3A_925 = arith.addf %add3A_924, %mul3A_922 : vector<16xf32>
          %mul3A_926 = arith.mulf %mul3A_919, %add3A_925 : vector<16xf32>
          %add3A_927 = arith.constant 2.000000e-01 : f32
          %add3A_928 = vector.broadcast %add3A_927 : f32 to vector<16xf32>
          %add3A_929 = arith.addf %add3A_928, %mul3A_926 : vector<16xf32>
          %mul3A_930 = arith.mulf %mul3A_919, %add3A_929 : vector<16xf32>
          %add3A_931 = arith.constant 0.333333343 : f32
          %add3A_932 = vector.broadcast %add3A_931 : f32 to vector<16xf32>
          %add3A_933 = arith.addf %add3A_932, %mul3A_930 : vector<16xf32>
          %mul3A_934 = arith.mulf %mul3A_919, %add3A_933 : vector<16xf32>
          %add3A_935 = arith.constant 1.000000e+00 : f32
          %add3A_936 = vector.broadcast %add3A_935 : f32 to vector<16xf32>
          %add3A_937 = arith.addf %add3A_936, %mul3A_934 : vector<16xf32>
          %convert_element_type3A_938 = arith.sitofp %select_n3A_911 : vector<16xi32> to vector<16xf32>
          %mul3A_939 = arith.mulf %div3A_918, %add3A_937 : vector<16xf32>
          %mul3A_940 = arith.constant 2.885390e+00 : f32
          %mul3A_941 = vector.broadcast %mul3A_940 : f32 to vector<16xf32>
          %mul3A_942 = arith.mulf %mul3A_939, %mul3A_941 : vector<16xf32>
          %add3A_943 = arith.addf %convert_element_type3A_938, %mul3A_942 : vector<16xf32>
          %mul3A_944 = arith.mulf %mul3A_883, %add3A_943 : vector<16xf32>
          %add3A_945 = arith.addf %broadcast_in_dim3A_882, %mul3A_944 : vector<16xf32>
          %mul3A_946 = arith.mulf %mul3A_856, %div3A_880 : vector<16xf32>
          %add3A_947 = arith.constant 9.99999971E-10 : f32
          %add3A_948 = vector.broadcast %add3A_947 : f32 to vector<16xf32>
          %add3A_949 = arith.addf %mul3A_946, %add3A_948 : vector<16xf32>
          %bitcast_convert_type3A_950 = tpu.bitcast %add3A_949 : vector<16xf32> -> vector<16xi32>
          %shift_right_arithmetic3A_951 = arith.constant 23 : i32
          %shift_right_arithmetic3A_952 = vector.broadcast %shift_right_arithmetic3A_951 : i32 to vector<16xi32>
          %shift_right_arithmetic3A_953 = arith.shrsi %bitcast_convert_type3A_950, %shift_right_arithmetic3A_952 : vector<16xi32>
          %sub3A_954 = arith.constant 127 : i32
          %sub3A_955 = vector.broadcast %sub3A_954 : i32 to vector<16xi32>
          %sub3A_956 = arith.subi %shift_right_arithmetic3A_953, %sub3A_955 : vector<16xi32>
          %and3A_957 = arith.constant 8388607 : i32
          %and3A_958 = vector.broadcast %and3A_957 : i32 to vector<16xi32>
          %and3A_959 = arith.andi %bitcast_convert_type3A_950, %and3A_958 : vector<16xi32>
          %or3A_960 = arith.constant 1065353216 : i32
          %or3A_961 = vector.broadcast %or3A_960 : i32 to vector<16xi32>
          %or3A_962 = arith.ori %and3A_959, %or3A_961 : vector<16xi32>
          %bitcast_convert_type3A_963 = tpu.bitcast %or3A_962 : vector<16xi32> -> vector<16xf32>
          %ge3A_964 = arith.constant 1.41421354 : f32
          %ge3A_965 = vector.broadcast %ge3A_964 : f32 to vector<16xf32>
          %ge3A_966 = arith.cmpf oge, %bitcast_convert_type3A_963, %ge3A_965 : vector<16xf32>
          %mul3A_967 = arith.constant 5.000000e-01 : f32
          %mul3A_968 = vector.broadcast %mul3A_967 : f32 to vector<16xf32>
          %mul3A_969 = arith.mulf %bitcast_convert_type3A_963, %mul3A_968 : vector<16xf32>
          %select_n3A_970 = arith.select %ge3A_966, %mul3A_969, %bitcast_convert_type3A_963 : vector<16xi1>, vector<16xf32>
          %add3A_971 = arith.constant 1 : i32
          %add3A_972 = vector.broadcast %add3A_971 : i32 to vector<16xi32>
          %add3A_973 = arith.addi %sub3A_956, %add3A_972 : vector<16xi32>
          %select_n3A_974 = arith.select %ge3A_966, %add3A_973, %sub3A_956 : vector<16xi1>, vector<16xi32>
          %sub3A_975 = arith.constant 1.000000e+00 : f32
          %sub3A_976 = vector.broadcast %sub3A_975 : f32 to vector<16xf32>
          %sub3A_977 = arith.subf %select_n3A_970, %sub3A_976 : vector<16xf32>
          %add3A_978 = arith.constant 1.000000e+00 : f32
          %add3A_979 = vector.broadcast %add3A_978 : f32 to vector<16xf32>
          %add3A_980 = arith.addf %select_n3A_970, %add3A_979 : vector<16xf32>
          %div3A_981 = arith.divf %sub3A_977, %add3A_980 : vector<16xf32>
          %mul3A_982 = arith.mulf %div3A_981, %div3A_981 : vector<16xf32>
          %mul3A_983 = arith.constant 0.111111112 : f32
          %mul3A_984 = vector.broadcast %mul3A_983 : f32 to vector<16xf32>
          %mul3A_985 = arith.mulf %mul3A_982, %mul3A_984 : vector<16xf32>
          %add3A_986 = arith.constant 0.142857149 : f32
          %add3A_987 = vector.broadcast %add3A_986 : f32 to vector<16xf32>
          %add3A_988 = arith.addf %add3A_987, %mul3A_985 : vector<16xf32>
          %mul3A_989 = arith.mulf %mul3A_982, %add3A_988 : vector<16xf32>
          %add3A_990 = arith.constant 2.000000e-01 : f32
          %add3A_991 = vector.broadcast %add3A_990 : f32 to vector<16xf32>
          %add3A_992 = arith.addf %add3A_991, %mul3A_989 : vector<16xf32>
          %mul3A_993 = arith.mulf %mul3A_982, %add3A_992 : vector<16xf32>
          %add3A_994 = arith.constant 0.333333343 : f32
          %add3A_995 = vector.broadcast %add3A_994 : f32 to vector<16xf32>
          %add3A_996 = arith.addf %add3A_995, %mul3A_993 : vector<16xf32>
          %mul3A_997 = arith.mulf %mul3A_982, %add3A_996 : vector<16xf32>
          %add3A_998 = arith.constant 1.000000e+00 : f32
          %add3A_999 = vector.broadcast %add3A_998 : f32 to vector<16xf32>
          %add3A_1000 = arith.addf %add3A_999, %mul3A_997 : vector<16xf32>
          %convert_element_type3A_1001 = arith.sitofp %select_n3A_974 : vector<16xi32> to vector<16xf32>
          %mul3A_1002 = arith.mulf %div3A_981, %add3A_1000 : vector<16xf32>
          %mul3A_1003 = arith.constant 2.885390e+00 : f32
          %mul3A_1004 = vector.broadcast %mul3A_1003 : f32 to vector<16xf32>
          %mul3A_1005 = arith.mulf %mul3A_1002, %mul3A_1004 : vector<16xf32>
          %add3A_1006 = arith.addf %convert_element_type3A_1001, %mul3A_1005 : vector<16xf32>
          %mul3A_1007 = arith.mulf %mul3A_946, %add3A_1006 : vector<16xf32>
          %add3A_1008 = arith.addf %add3A_945, %mul3A_1007 : vector<16xf32>
          %mul3A_1009 = arith.mulf %mul3A_857, %div3A_880 : vector<16xf32>
          %add3A_1010 = arith.constant 9.99999971E-10 : f32
          %add3A_1011 = vector.broadcast %add3A_1010 : f32 to vector<16xf32>
          %add3A_1012 = arith.addf %mul3A_1009, %add3A_1011 : vector<16xf32>
          %bitcast_convert_type3A_1013 = tpu.bitcast %add3A_1012 : vector<16xf32> -> vector<16xi32>
          %shift_right_arithmetic3A_1014 = arith.constant 23 : i32
          %shift_right_arithmetic3A_1015 = vector.broadcast %shift_right_arithmetic3A_1014 : i32 to vector<16xi32>
          %shift_right_arithmetic3A_1016 = arith.shrsi %bitcast_convert_type3A_1013, %shift_right_arithmetic3A_1015 : vector<16xi32>
          %sub3A_1017 = arith.constant 127 : i32
          %sub3A_1018 = vector.broadcast %sub3A_1017 : i32 to vector<16xi32>
          %sub3A_1019 = arith.subi %shift_right_arithmetic3A_1016, %sub3A_1018 : vector<16xi32>
          %and3A_1020 = arith.constant 8388607 : i32
          %and3A_1021 = vector.broadcast %and3A_1020 : i32 to vector<16xi32>
          %and3A_1022 = arith.andi %bitcast_convert_type3A_1013, %and3A_1021 : vector<16xi32>
          %or3A_1023 = arith.constant 1065353216 : i32
          %or3A_1024 = vector.broadcast %or3A_1023 : i32 to vector<16xi32>
          %or3A_1025 = arith.ori %and3A_1022, %or3A_1024 : vector<16xi32>
          %bitcast_convert_type3A_1026 = tpu.bitcast %or3A_1025 : vector<16xi32> -> vector<16xf32>
          %ge3A_1027 = arith.constant 1.41421354 : f32
          %ge3A_1028 = vector.broadcast %ge3A_1027 : f32 to vector<16xf32>
          %ge3A_1029 = arith.cmpf oge, %bitcast_convert_type3A_1026, %ge3A_1028 : vector<16xf32>
          %mul3A_1030 = arith.constant 5.000000e-01 : f32
          %mul3A_1031 = vector.broadcast %mul3A_1030 : f32 to vector<16xf32>
          %mul3A_1032 = arith.mulf %bitcast_convert_type3A_1026, %mul3A_1031 : vector<16xf32>
          %select_n3A_1033 = arith.select %ge3A_1029, %mul3A_1032, %bitcast_convert_type3A_1026 : vector<16xi1>, vector<16xf32>
          %add3A_1034 = arith.constant 1 : i32
          %add3A_1035 = vector.broadcast %add3A_1034 : i32 to vector<16xi32>
          %add3A_1036 = arith.addi %sub3A_1019, %add3A_1035 : vector<16xi32>
          %select_n3A_1037 = arith.select %ge3A_1029, %add3A_1036, %sub3A_1019 : vector<16xi1>, vector<16xi32>
          %sub3A_1038 = arith.constant 1.000000e+00 : f32
          %sub3A_1039 = vector.broadcast %sub3A_1038 : f32 to vector<16xf32>
          %sub3A_1040 = arith.subf %select_n3A_1033, %sub3A_1039 : vector<16xf32>
          %add3A_1041 = arith.constant 1.000000e+00 : f32
          %add3A_1042 = vector.broadcast %add3A_1041 : f32 to vector<16xf32>
          %add3A_1043 = arith.addf %select_n3A_1033, %add3A_1042 : vector<16xf32>
          %div3A_1044 = arith.divf %sub3A_1040, %add3A_1043 : vector<16xf32>
          %mul3A_1045 = arith.mulf %div3A_1044, %div3A_1044 : vector<16xf32>
          %mul3A_1046 = arith.constant 0.111111112 : f32
          %mul3A_1047 = vector.broadcast %mul3A_1046 : f32 to vector<16xf32>
          %mul3A_1048 = arith.mulf %mul3A_1045, %mul3A_1047 : vector<16xf32>
          %add3A_1049 = arith.constant 0.142857149 : f32
          %add3A_1050 = vector.broadcast %add3A_1049 : f32 to vector<16xf32>
          %add3A_1051 = arith.addf %add3A_1050, %mul3A_1048 : vector<16xf32>
          %mul3A_1052 = arith.mulf %mul3A_1045, %add3A_1051 : vector<16xf32>
          %add3A_1053 = arith.constant 2.000000e-01 : f32
          %add3A_1054 = vector.broadcast %add3A_1053 : f32 to vector<16xf32>
          %add3A_1055 = arith.addf %add3A_1054, %mul3A_1052 : vector<16xf32>
          %mul3A_1056 = arith.mulf %mul3A_1045, %add3A_1055 : vector<16xf32>
          %add3A_1057 = arith.constant 0.333333343 : f32
          %add3A_1058 = vector.broadcast %add3A_1057 : f32 to vector<16xf32>
          %add3A_1059 = arith.addf %add3A_1058, %mul3A_1056 : vector<16xf32>
          %mul3A_1060 = arith.mulf %mul3A_1045, %add3A_1059 : vector<16xf32>
          %add3A_1061 = arith.constant 1.000000e+00 : f32
          %add3A_1062 = vector.broadcast %add3A_1061 : f32 to vector<16xf32>
          %add3A_1063 = arith.addf %add3A_1062, %mul3A_1060 : vector<16xf32>
          %convert_element_type3A_1064 = arith.sitofp %select_n3A_1037 : vector<16xi32> to vector<16xf32>
          %mul3A_1065 = arith.mulf %div3A_1044, %add3A_1063 : vector<16xf32>
          %mul3A_1066 = arith.constant 2.885390e+00 : f32
          %mul3A_1067 = vector.broadcast %mul3A_1066 : f32 to vector<16xf32>
          %mul3A_1068 = arith.mulf %mul3A_1065, %mul3A_1067 : vector<16xf32>
          %add3A_1069 = arith.addf %convert_element_type3A_1064, %mul3A_1068 : vector<16xf32>
          %mul3A_1070 = arith.mulf %mul3A_1009, %add3A_1069 : vector<16xf32>
          %add3A_1071 = arith.addf %add3A_1008, %mul3A_1070 : vector<16xf32>
          %mul3A_1072 = arith.mulf %mul3A_858, %div3A_880 : vector<16xf32>
          %add3A_1073 = arith.constant 9.99999971E-10 : f32
          %add3A_1074 = vector.broadcast %add3A_1073 : f32 to vector<16xf32>
          %add3A_1075 = arith.addf %mul3A_1072, %add3A_1074 : vector<16xf32>
          %bitcast_convert_type3A_1076 = tpu.bitcast %add3A_1075 : vector<16xf32> -> vector<16xi32>
          %shift_right_arithmetic3A_1077 = arith.constant 23 : i32
          %shift_right_arithmetic3A_1078 = vector.broadcast %shift_right_arithmetic3A_1077 : i32 to vector<16xi32>
          %shift_right_arithmetic3A_1079 = arith.shrsi %bitcast_convert_type3A_1076, %shift_right_arithmetic3A_1078 : vector<16xi32>
          %sub3A_1080 = arith.constant 127 : i32
          %sub3A_1081 = vector.broadcast %sub3A_1080 : i32 to vector<16xi32>
          %sub3A_1082 = arith.subi %shift_right_arithmetic3A_1079, %sub3A_1081 : vector<16xi32>
          %and3A_1083 = arith.constant 8388607 : i32
          %and3A_1084 = vector.broadcast %and3A_1083 : i32 to vector<16xi32>
          %and3A_1085 = arith.andi %bitcast_convert_type3A_1076, %and3A_1084 : vector<16xi32>
          %or3A_1086 = arith.constant 1065353216 : i32
          %or3A_1087 = vector.broadcast %or3A_1086 : i32 to vector<16xi32>
          %or3A_1088 = arith.ori %and3A_1085, %or3A_1087 : vector<16xi32>
          %bitcast_convert_type3A_1089 = tpu.bitcast %or3A_1088 : vector<16xi32> -> vector<16xf32>
          %ge3A_1090 = arith.constant 1.41421354 : f32
          %ge3A_1091 = vector.broadcast %ge3A_1090 : f32 to vector<16xf32>
          %ge3A_1092 = arith.cmpf oge, %bitcast_convert_type3A_1089, %ge3A_1091 : vector<16xf32>
          %mul3A_1093 = arith.constant 5.000000e-01 : f32
          %mul3A_1094 = vector.broadcast %mul3A_1093 : f32 to vector<16xf32>
          %mul3A_1095 = arith.mulf %bitcast_convert_type3A_1089, %mul3A_1094 : vector<16xf32>
          %select_n3A_1096 = arith.select %ge3A_1092, %mul3A_1095, %bitcast_convert_type3A_1089 : vector<16xi1>, vector<16xf32>
          %add3A_1097 = arith.constant 1 : i32
          %add3A_1098 = vector.broadcast %add3A_1097 : i32 to vector<16xi32>
          %add3A_1099 = arith.addi %sub3A_1082, %add3A_1098 : vector<16xi32>
          %select_n3A_1100 = arith.select %ge3A_1092, %add3A_1099, %sub3A_1082 : vector<16xi1>, vector<16xi32>
          %sub3A_1101 = arith.constant 1.000000e+00 : f32
          %sub3A_1102 = vector.broadcast %sub3A_1101 : f32 to vector<16xf32>
          %sub3A_1103 = arith.subf %select_n3A_1096, %sub3A_1102 : vector<16xf32>
          %add3A_1104 = arith.constant 1.000000e+00 : f32
          %add3A_1105 = vector.broadcast %add3A_1104 : f32 to vector<16xf32>
          %add3A_1106 = arith.addf %select_n3A_1096, %add3A_1105 : vector<16xf32>
          %div3A_1107 = arith.divf %sub3A_1103, %add3A_1106 : vector<16xf32>
          %mul3A_1108 = arith.mulf %div3A_1107, %div3A_1107 : vector<16xf32>
          %mul3A_1109 = arith.constant 0.111111112 : f32
          %mul3A_1110 = vector.broadcast %mul3A_1109 : f32 to vector<16xf32>
          %mul3A_1111 = arith.mulf %mul3A_1108, %mul3A_1110 : vector<16xf32>
          %add3A_1112 = arith.constant 0.142857149 : f32
          %add3A_1113 = vector.broadcast %add3A_1112 : f32 to vector<16xf32>
          %add3A_1114 = arith.addf %add3A_1113, %mul3A_1111 : vector<16xf32>
          %mul3A_1115 = arith.mulf %mul3A_1108, %add3A_1114 : vector<16xf32>
          %add3A_1116 = arith.constant 2.000000e-01 : f32
          %add3A_1117 = vector.broadcast %add3A_1116 : f32 to vector<16xf32>
          %add3A_1118 = arith.addf %add3A_1117, %mul3A_1115 : vector<16xf32>
          %mul3A_1119 = arith.mulf %mul3A_1108, %add3A_1118 : vector<16xf32>
          %add3A_1120 = arith.constant 0.333333343 : f32
          %add3A_1121 = vector.broadcast %add3A_1120 : f32 to vector<16xf32>
          %add3A_1122 = arith.addf %add3A_1121, %mul3A_1119 : vector<16xf32>
          %mul3A_1123 = arith.mulf %mul3A_1108, %add3A_1122 : vector<16xf32>
          %add3A_1124 = arith.constant 1.000000e+00 : f32
          %add3A_1125 = vector.broadcast %add3A_1124 : f32 to vector<16xf32>
          %add3A_1126 = arith.addf %add3A_1125, %mul3A_1123 : vector<16xf32>
          %convert_element_type3A_1127 = arith.sitofp %select_n3A_1100 : vector<16xi32> to vector<16xf32>
          %mul3A_1128 = arith.mulf %div3A_1107, %add3A_1126 : vector<16xf32>
          %mul3A_1129 = arith.constant 2.885390e+00 : f32
          %mul3A_1130 = vector.broadcast %mul3A_1129 : f32 to vector<16xf32>
          %mul3A_1131 = arith.mulf %mul3A_1128, %mul3A_1130 : vector<16xf32>
          %add3A_1132 = arith.addf %convert_element_type3A_1127, %mul3A_1131 : vector<16xf32>
          %mul3A_1133 = arith.mulf %mul3A_1072, %add3A_1132 : vector<16xf32>
          %add3A_1134 = arith.addf %add3A_1071, %mul3A_1133 : vector<16xf32>
          %mul3A_1135 = arith.mulf %mul3A_859, %div3A_880 : vector<16xf32>
          %add3A_1136 = arith.constant 9.99999971E-10 : f32
          %add3A_1137 = vector.broadcast %add3A_1136 : f32 to vector<16xf32>
          %add3A_1138 = arith.addf %mul3A_1135, %add3A_1137 : vector<16xf32>
          %bitcast_convert_type3A_1139 = tpu.bitcast %add3A_1138 : vector<16xf32> -> vector<16xi32>
          %shift_right_arithmetic3A_1140 = arith.constant 23 : i32
          %shift_right_arithmetic3A_1141 = vector.broadcast %shift_right_arithmetic3A_1140 : i32 to vector<16xi32>
          %shift_right_arithmetic3A_1142 = arith.shrsi %bitcast_convert_type3A_1139, %shift_right_arithmetic3A_1141 : vector<16xi32>
          %sub3A_1143 = arith.constant 127 : i32
          %sub3A_1144 = vector.broadcast %sub3A_1143 : i32 to vector<16xi32>
          %sub3A_1145 = arith.subi %shift_right_arithmetic3A_1142, %sub3A_1144 : vector<16xi32>
          %and3A_1146 = arith.constant 8388607 : i32
          %and3A_1147 = vector.broadcast %and3A_1146 : i32 to vector<16xi32>
          %and3A_1148 = arith.andi %bitcast_convert_type3A_1139, %and3A_1147 : vector<16xi32>
          %or3A_1149 = arith.constant 1065353216 : i32
          %or3A_1150 = vector.broadcast %or3A_1149 : i32 to vector<16xi32>
          %or3A_1151 = arith.ori %and3A_1148, %or3A_1150 : vector<16xi32>
          %bitcast_convert_type3A_1152 = tpu.bitcast %or3A_1151 : vector<16xi32> -> vector<16xf32>
          %ge3A_1153 = arith.constant 1.41421354 : f32
          %ge3A_1154 = vector.broadcast %ge3A_1153 : f32 to vector<16xf32>
          %ge3A_1155 = arith.cmpf oge, %bitcast_convert_type3A_1152, %ge3A_1154 : vector<16xf32>
          %mul3A_1156 = arith.constant 5.000000e-01 : f32
          %mul3A_1157 = vector.broadcast %mul3A_1156 : f32 to vector<16xf32>
          %mul3A_1158 = arith.mulf %bitcast_convert_type3A_1152, %mul3A_1157 : vector<16xf32>
          %select_n3A_1159 = arith.select %ge3A_1155, %mul3A_1158, %bitcast_convert_type3A_1152 : vector<16xi1>, vector<16xf32>
          %add3A_1160 = arith.constant 1 : i32
          %add3A_1161 = vector.broadcast %add3A_1160 : i32 to vector<16xi32>
          %add3A_1162 = arith.addi %sub3A_1145, %add3A_1161 : vector<16xi32>
          %select_n3A_1163 = arith.select %ge3A_1155, %add3A_1162, %sub3A_1145 : vector<16xi1>, vector<16xi32>
          %sub3A_1164 = arith.constant 1.000000e+00 : f32
          %sub3A_1165 = vector.broadcast %sub3A_1164 : f32 to vector<16xf32>
          %sub3A_1166 = arith.subf %select_n3A_1159, %sub3A_1165 : vector<16xf32>
          %add3A_1167 = arith.constant 1.000000e+00 : f32
          %add3A_1168 = vector.broadcast %add3A_1167 : f32 to vector<16xf32>
          %add3A_1169 = arith.addf %select_n3A_1159, %add3A_1168 : vector<16xf32>
          %div3A_1170 = arith.divf %sub3A_1166, %add3A_1169 : vector<16xf32>
          %mul3A_1171 = arith.mulf %div3A_1170, %div3A_1170 : vector<16xf32>
          %mul3A_1172 = arith.constant 0.111111112 : f32
          %mul3A_1173 = vector.broadcast %mul3A_1172 : f32 to vector<16xf32>
          %mul3A_1174 = arith.mulf %mul3A_1171, %mul3A_1173 : vector<16xf32>
          %add3A_1175 = arith.constant 0.142857149 : f32
          %add3A_1176 = vector.broadcast %add3A_1175 : f32 to vector<16xf32>
          %add3A_1177 = arith.addf %add3A_1176, %mul3A_1174 : vector<16xf32>
          %mul3A_1178 = arith.mulf %mul3A_1171, %add3A_1177 : vector<16xf32>
          %add3A_1179 = arith.constant 2.000000e-01 : f32
          %add3A_1180 = vector.broadcast %add3A_1179 : f32 to vector<16xf32>
          %add3A_1181 = arith.addf %add3A_1180, %mul3A_1178 : vector<16xf32>
          %mul3A_1182 = arith.mulf %mul3A_1171, %add3A_1181 : vector<16xf32>
          %add3A_1183 = arith.constant 0.333333343 : f32
          %add3A_1184 = vector.broadcast %add3A_1183 : f32 to vector<16xf32>
          %add3A_1185 = arith.addf %add3A_1184, %mul3A_1182 : vector<16xf32>
          %mul3A_1186 = arith.mulf %mul3A_1171, %add3A_1185 : vector<16xf32>
          %add3A_1187 = arith.constant 1.000000e+00 : f32
          %add3A_1188 = vector.broadcast %add3A_1187 : f32 to vector<16xf32>
          %add3A_1189 = arith.addf %add3A_1188, %mul3A_1186 : vector<16xf32>
          %convert_element_type3A_1190 = arith.sitofp %select_n3A_1163 : vector<16xi32> to vector<16xf32>
          %mul3A_1191 = arith.mulf %div3A_1170, %add3A_1189 : vector<16xf32>
          %mul3A_1192 = arith.constant 2.885390e+00 : f32
          %mul3A_1193 = vector.broadcast %mul3A_1192 : f32 to vector<16xf32>
          %mul3A_1194 = arith.mulf %mul3A_1191, %mul3A_1193 : vector<16xf32>
          %add3A_1195 = arith.addf %convert_element_type3A_1190, %mul3A_1194 : vector<16xf32>
          %mul3A_1196 = arith.mulf %mul3A_1135, %add3A_1195 : vector<16xf32>
          %add3A_1197 = arith.addf %add3A_1134, %mul3A_1196 : vector<16xf32>
          %mul3A_1198 = arith.mulf %mul3A_860, %div3A_880 : vector<16xf32>
          %add3A_1199 = arith.constant 9.99999971E-10 : f32
          %add3A_1200 = vector.broadcast %add3A_1199 : f32 to vector<16xf32>
          %add3A_1201 = arith.addf %mul3A_1198, %add3A_1200 : vector<16xf32>
          %bitcast_convert_type3A_1202 = tpu.bitcast %add3A_1201 : vector<16xf32> -> vector<16xi32>
          %shift_right_arithmetic3A_1203 = arith.constant 23 : i32
          %shift_right_arithmetic3A_1204 = vector.broadcast %shift_right_arithmetic3A_1203 : i32 to vector<16xi32>
          %shift_right_arithmetic3A_1205 = arith.shrsi %bitcast_convert_type3A_1202, %shift_right_arithmetic3A_1204 : vector<16xi32>
          %sub3A_1206 = arith.constant 127 : i32
          %sub3A_1207 = vector.broadcast %sub3A_1206 : i32 to vector<16xi32>
          %sub3A_1208 = arith.subi %shift_right_arithmetic3A_1205, %sub3A_1207 : vector<16xi32>
          %and3A_1209 = arith.constant 8388607 : i32
          %and3A_1210 = vector.broadcast %and3A_1209 : i32 to vector<16xi32>
          %and3A_1211 = arith.andi %bitcast_convert_type3A_1202, %and3A_1210 : vector<16xi32>
          %or3A_1212 = arith.constant 1065353216 : i32
          %or3A_1213 = vector.broadcast %or3A_1212 : i32 to vector<16xi32>
          %or3A_1214 = arith.ori %and3A_1211, %or3A_1213 : vector<16xi32>
          %bitcast_convert_type3A_1215 = tpu.bitcast %or3A_1214 : vector<16xi32> -> vector<16xf32>
          %ge3A_1216 = arith.constant 1.41421354 : f32
          %ge3A_1217 = vector.broadcast %ge3A_1216 : f32 to vector<16xf32>
          %ge3A_1218 = arith.cmpf oge, %bitcast_convert_type3A_1215, %ge3A_1217 : vector<16xf32>
          %mul3A_1219 = arith.constant 5.000000e-01 : f32
          %mul3A_1220 = vector.broadcast %mul3A_1219 : f32 to vector<16xf32>
          %mul3A_1221 = arith.mulf %bitcast_convert_type3A_1215, %mul3A_1220 : vector<16xf32>
          %select_n3A_1222 = arith.select %ge3A_1218, %mul3A_1221, %bitcast_convert_type3A_1215 : vector<16xi1>, vector<16xf32>
          %add3A_1223 = arith.constant 1 : i32
          %add3A_1224 = vector.broadcast %add3A_1223 : i32 to vector<16xi32>
          %add3A_1225 = arith.addi %sub3A_1208, %add3A_1224 : vector<16xi32>
          %select_n3A_1226 = arith.select %ge3A_1218, %add3A_1225, %sub3A_1208 : vector<16xi1>, vector<16xi32>
          %sub3A_1227 = arith.constant 1.000000e+00 : f32
          %sub3A_1228 = vector.broadcast %sub3A_1227 : f32 to vector<16xf32>
          %sub3A_1229 = arith.subf %select_n3A_1222, %sub3A_1228 : vector<16xf32>
          %add3A_1230 = arith.constant 1.000000e+00 : f32
          %add3A_1231 = vector.broadcast %add3A_1230 : f32 to vector<16xf32>
          %add3A_1232 = arith.addf %select_n3A_1222, %add3A_1231 : vector<16xf32>
          %div3A_1233 = arith.divf %sub3A_1229, %add3A_1232 : vector<16xf32>
          %mul3A_1234 = arith.mulf %div3A_1233, %div3A_1233 : vector<16xf32>
          %mul3A_1235 = arith.constant 0.111111112 : f32
          %mul3A_1236 = vector.broadcast %mul3A_1235 : f32 to vector<16xf32>
          %mul3A_1237 = arith.mulf %mul3A_1234, %mul3A_1236 : vector<16xf32>
          %add3A_1238 = arith.constant 0.142857149 : f32
          %add3A_1239 = vector.broadcast %add3A_1238 : f32 to vector<16xf32>
          %add3A_1240 = arith.addf %add3A_1239, %mul3A_1237 : vector<16xf32>
          %mul3A_1241 = arith.mulf %mul3A_1234, %add3A_1240 : vector<16xf32>
          %add3A_1242 = arith.constant 2.000000e-01 : f32
          %add3A_1243 = vector.broadcast %add3A_1242 : f32 to vector<16xf32>
          %add3A_1244 = arith.addf %add3A_1243, %mul3A_1241 : vector<16xf32>
          %mul3A_1245 = arith.mulf %mul3A_1234, %add3A_1244 : vector<16xf32>
          %add3A_1246 = arith.constant 0.333333343 : f32
          %add3A_1247 = vector.broadcast %add3A_1246 : f32 to vector<16xf32>
          %add3A_1248 = arith.addf %add3A_1247, %mul3A_1245 : vector<16xf32>
          %mul3A_1249 = arith.mulf %mul3A_1234, %add3A_1248 : vector<16xf32>
          %add3A_1250 = arith.constant 1.000000e+00 : f32
          %add3A_1251 = vector.broadcast %add3A_1250 : f32 to vector<16xf32>
          %add3A_1252 = arith.addf %add3A_1251, %mul3A_1249 : vector<16xf32>
          %convert_element_type3A_1253 = arith.sitofp %select_n3A_1226 : vector<16xi32> to vector<16xf32>
          %mul3A_1254 = arith.mulf %div3A_1233, %add3A_1252 : vector<16xf32>
          %mul3A_1255 = arith.constant 2.885390e+00 : f32
          %mul3A_1256 = vector.broadcast %mul3A_1255 : f32 to vector<16xf32>
          %mul3A_1257 = arith.mulf %mul3A_1254, %mul3A_1256 : vector<16xf32>
          %add3A_1258 = arith.addf %convert_element_type3A_1253, %mul3A_1257 : vector<16xf32>
          %mul3A_1259 = arith.mulf %mul3A_1198, %add3A_1258 : vector<16xf32>
          %add3A_1260 = arith.addf %add3A_1197, %mul3A_1259 : vector<16xf32>
          %mul3A_1261 = arith.mulf %mul3A_861, %div3A_880 : vector<16xf32>
          %add3A_1262 = arith.constant 9.99999971E-10 : f32
          %add3A_1263 = vector.broadcast %add3A_1262 : f32 to vector<16xf32>
          %add3A_1264 = arith.addf %mul3A_1261, %add3A_1263 : vector<16xf32>
          %bitcast_convert_type3A_1265 = tpu.bitcast %add3A_1264 : vector<16xf32> -> vector<16xi32>
          %shift_right_arithmetic3A_1266 = arith.constant 23 : i32
          %shift_right_arithmetic3A_1267 = vector.broadcast %shift_right_arithmetic3A_1266 : i32 to vector<16xi32>
          %shift_right_arithmetic3A_1268 = arith.shrsi %bitcast_convert_type3A_1265, %shift_right_arithmetic3A_1267 : vector<16xi32>
          %sub3A_1269 = arith.constant 127 : i32
          %sub3A_1270 = vector.broadcast %sub3A_1269 : i32 to vector<16xi32>
          %sub3A_1271 = arith.subi %shift_right_arithmetic3A_1268, %sub3A_1270 : vector<16xi32>
          %and3A_1272 = arith.constant 8388607 : i32
          %and3A_1273 = vector.broadcast %and3A_1272 : i32 to vector<16xi32>
          %and3A_1274 = arith.andi %bitcast_convert_type3A_1265, %and3A_1273 : vector<16xi32>
          %or3A_1275 = arith.constant 1065353216 : i32
          %or3A_1276 = vector.broadcast %or3A_1275 : i32 to vector<16xi32>
          %or3A_1277 = arith.ori %and3A_1274, %or3A_1276 : vector<16xi32>
          %bitcast_convert_type3A_1278 = tpu.bitcast %or3A_1277 : vector<16xi32> -> vector<16xf32>
          %ge3A_1279 = arith.constant 1.41421354 : f32
          %ge3A_1280 = vector.broadcast %ge3A_1279 : f32 to vector<16xf32>
          %ge3A_1281 = arith.cmpf oge, %bitcast_convert_type3A_1278, %ge3A_1280 : vector<16xf32>
          %mul3A_1282 = arith.constant 5.000000e-01 : f32
          %mul3A_1283 = vector.broadcast %mul3A_1282 : f32 to vector<16xf32>
          %mul3A_1284 = arith.mulf %bitcast_convert_type3A_1278, %mul3A_1283 : vector<16xf32>
          %select_n3A_1285 = arith.select %ge3A_1281, %mul3A_1284, %bitcast_convert_type3A_1278 : vector<16xi1>, vector<16xf32>
          %add3A_1286 = arith.constant 1 : i32
          %add3A_1287 = vector.broadcast %add3A_1286 : i32 to vector<16xi32>
          %add3A_1288 = arith.addi %sub3A_1271, %add3A_1287 : vector<16xi32>
          %select_n3A_1289 = arith.select %ge3A_1281, %add3A_1288, %sub3A_1271 : vector<16xi1>, vector<16xi32>
          %sub3A_1290 = arith.constant 1.000000e+00 : f32
          %sub3A_1291 = vector.broadcast %sub3A_1290 : f32 to vector<16xf32>
          %sub3A_1292 = arith.subf %select_n3A_1285, %sub3A_1291 : vector<16xf32>
          %add3A_1293 = arith.constant 1.000000e+00 : f32
          %add3A_1294 = vector.broadcast %add3A_1293 : f32 to vector<16xf32>
          %add3A_1295 = arith.addf %select_n3A_1285, %add3A_1294 : vector<16xf32>
          %div3A_1296 = arith.divf %sub3A_1292, %add3A_1295 : vector<16xf32>
          %mul3A_1297 = arith.mulf %div3A_1296, %div3A_1296 : vector<16xf32>
          %mul3A_1298 = arith.constant 0.111111112 : f32
          %mul3A_1299 = vector.broadcast %mul3A_1298 : f32 to vector<16xf32>
          %mul3A_1300 = arith.mulf %mul3A_1297, %mul3A_1299 : vector<16xf32>
          %add3A_1301 = arith.constant 0.142857149 : f32
          %add3A_1302 = vector.broadcast %add3A_1301 : f32 to vector<16xf32>
          %add3A_1303 = arith.addf %add3A_1302, %mul3A_1300 : vector<16xf32>
          %mul3A_1304 = arith.mulf %mul3A_1297, %add3A_1303 : vector<16xf32>
          %add3A_1305 = arith.constant 2.000000e-01 : f32
          %add3A_1306 = vector.broadcast %add3A_1305 : f32 to vector<16xf32>
          %add3A_1307 = arith.addf %add3A_1306, %mul3A_1304 : vector<16xf32>
          %mul3A_1308 = arith.mulf %mul3A_1297, %add3A_1307 : vector<16xf32>
          %add3A_1309 = arith.constant 0.333333343 : f32
          %add3A_1310 = vector.broadcast %add3A_1309 : f32 to vector<16xf32>
          %add3A_1311 = arith.addf %add3A_1310, %mul3A_1308 : vector<16xf32>
          %mul3A_1312 = arith.mulf %mul3A_1297, %add3A_1311 : vector<16xf32>
          %add3A_1313 = arith.constant 1.000000e+00 : f32
          %add3A_1314 = vector.broadcast %add3A_1313 : f32 to vector<16xf32>
          %add3A_1315 = arith.addf %add3A_1314, %mul3A_1312 : vector<16xf32>
          %convert_element_type3A_1316 = arith.sitofp %select_n3A_1289 : vector<16xi32> to vector<16xf32>
          %mul3A_1317 = arith.mulf %div3A_1296, %add3A_1315 : vector<16xf32>
          %mul3A_1318 = arith.constant 2.885390e+00 : f32
          %mul3A_1319 = vector.broadcast %mul3A_1318 : f32 to vector<16xf32>
          %mul3A_1320 = arith.mulf %mul3A_1317, %mul3A_1319 : vector<16xf32>
          %add3A_1321 = arith.addf %convert_element_type3A_1316, %mul3A_1320 : vector<16xf32>
          %mul3A_1322 = arith.mulf %mul3A_1261, %add3A_1321 : vector<16xf32>
          %add3A_1323 = arith.addf %add3A_1260, %mul3A_1322 : vector<16xf32>
          %mul3A_1324 = arith.mulf %mul3A_862, %div3A_880 : vector<16xf32>
          %add3A_1325 = arith.constant 9.99999971E-10 : f32
          %add3A_1326 = vector.broadcast %add3A_1325 : f32 to vector<16xf32>
          %add3A_1327 = arith.addf %mul3A_1324, %add3A_1326 : vector<16xf32>
          %bitcast_convert_type3A_1328 = tpu.bitcast %add3A_1327 : vector<16xf32> -> vector<16xi32>
          %shift_right_arithmetic3A_1329 = arith.constant 23 : i32
          %shift_right_arithmetic3A_1330 = vector.broadcast %shift_right_arithmetic3A_1329 : i32 to vector<16xi32>
          %shift_right_arithmetic3A_1331 = arith.shrsi %bitcast_convert_type3A_1328, %shift_right_arithmetic3A_1330 : vector<16xi32>
          %sub3A_1332 = arith.constant 127 : i32
          %sub3A_1333 = vector.broadcast %sub3A_1332 : i32 to vector<16xi32>
          %sub3A_1334 = arith.subi %shift_right_arithmetic3A_1331, %sub3A_1333 : vector<16xi32>
          %and3A_1335 = arith.constant 8388607 : i32
          %and3A_1336 = vector.broadcast %and3A_1335 : i32 to vector<16xi32>
          %and3A_1337 = arith.andi %bitcast_convert_type3A_1328, %and3A_1336 : vector<16xi32>
          %or3A_1338 = arith.constant 1065353216 : i32
          %or3A_1339 = vector.broadcast %or3A_1338 : i32 to vector<16xi32>
          %or3A_1340 = arith.ori %and3A_1337, %or3A_1339 : vector<16xi32>
          %bitcast_convert_type3A_1341 = tpu.bitcast %or3A_1340 : vector<16xi32> -> vector<16xf32>
          %ge3A_1342 = arith.constant 1.41421354 : f32
          %ge3A_1343 = vector.broadcast %ge3A_1342 : f32 to vector<16xf32>
          %ge3A_1344 = arith.cmpf oge, %bitcast_convert_type3A_1341, %ge3A_1343 : vector<16xf32>
          %mul3A_1345 = arith.constant 5.000000e-01 : f32
          %mul3A_1346 = vector.broadcast %mul3A_1345 : f32 to vector<16xf32>
          %mul3A_1347 = arith.mulf %bitcast_convert_type3A_1341, %mul3A_1346 : vector<16xf32>
          %select_n3A_1348 = arith.select %ge3A_1344, %mul3A_1347, %bitcast_convert_type3A_1341 : vector<16xi1>, vector<16xf32>
          %add3A_1349 = arith.constant 1 : i32
          %add3A_1350 = vector.broadcast %add3A_1349 : i32 to vector<16xi32>
          %add3A_1351 = arith.addi %sub3A_1334, %add3A_1350 : vector<16xi32>
          %select_n3A_1352 = arith.select %ge3A_1344, %add3A_1351, %sub3A_1334 : vector<16xi1>, vector<16xi32>
          %sub3A_1353 = arith.constant 1.000000e+00 : f32
          %sub3A_1354 = vector.broadcast %sub3A_1353 : f32 to vector<16xf32>
          %sub3A_1355 = arith.subf %select_n3A_1348, %sub3A_1354 : vector<16xf32>
          %add3A_1356 = arith.constant 1.000000e+00 : f32
          %add3A_1357 = vector.broadcast %add3A_1356 : f32 to vector<16xf32>
          %add3A_1358 = arith.addf %select_n3A_1348, %add3A_1357 : vector<16xf32>
          %div3A_1359 = arith.divf %sub3A_1355, %add3A_1358 : vector<16xf32>
          %mul3A_1360 = arith.mulf %div3A_1359, %div3A_1359 : vector<16xf32>
          %mul3A_1361 = arith.constant 0.111111112 : f32
          %mul3A_1362 = vector.broadcast %mul3A_1361 : f32 to vector<16xf32>
          %mul3A_1363 = arith.mulf %mul3A_1360, %mul3A_1362 : vector<16xf32>
          %add3A_1364 = arith.constant 0.142857149 : f32
          %add3A_1365 = vector.broadcast %add3A_1364 : f32 to vector<16xf32>
          %add3A_1366 = arith.addf %add3A_1365, %mul3A_1363 : vector<16xf32>
          %mul3A_1367 = arith.mulf %mul3A_1360, %add3A_1366 : vector<16xf32>
          %add3A_1368 = arith.constant 2.000000e-01 : f32
          %add3A_1369 = vector.broadcast %add3A_1368 : f32 to vector<16xf32>
          %add3A_1370 = arith.addf %add3A_1369, %mul3A_1367 : vector<16xf32>
          %mul3A_1371 = arith.mulf %mul3A_1360, %add3A_1370 : vector<16xf32>
          %add3A_1372 = arith.constant 0.333333343 : f32
          %add3A_1373 = vector.broadcast %add3A_1372 : f32 to vector<16xf32>
          %add3A_1374 = arith.addf %add3A_1373, %mul3A_1371 : vector<16xf32>
          %mul3A_1375 = arith.mulf %mul3A_1360, %add3A_1374 : vector<16xf32>
          %add3A_1376 = arith.constant 1.000000e+00 : f32
          %add3A_1377 = vector.broadcast %add3A_1376 : f32 to vector<16xf32>
          %add3A_1378 = arith.addf %add3A_1377, %mul3A_1375 : vector<16xf32>
          %convert_element_type3A_1379 = arith.sitofp %select_n3A_1352 : vector<16xi32> to vector<16xf32>
          %mul3A_1380 = arith.mulf %div3A_1359, %add3A_1378 : vector<16xf32>
          %mul3A_1381 = arith.constant 2.885390e+00 : f32
          %mul3A_1382 = vector.broadcast %mul3A_1381 : f32 to vector<16xf32>
          %mul3A_1383 = arith.mulf %mul3A_1380, %mul3A_1382 : vector<16xf32>
          %add3A_1384 = arith.addf %convert_element_type3A_1379, %mul3A_1383 : vector<16xf32>
          %mul3A_1385 = arith.mulf %mul3A_1324, %add3A_1384 : vector<16xf32>
          %add3A_1386 = arith.addf %add3A_1323, %mul3A_1385 : vector<16xf32>
          %reduce_sum3A_1387 = arith.constant true
          %reduce_sum3A_1388 = vector.broadcast %reduce_sum3A_1387 : i1 to vector<16xi1>
          %reduce_sum3A_1389 = tpu.scan <sum>, %add3A_1386 masked %reduce_sum3A_1388 : vector<16xf32>, vector<16xi1> -> vector<16xf32>
          %reduce_sum3A_1390 = vector.extract %reduce_sum3A_1389[15] : f32 from vector<16xf32>
          %neg3A_1391 = arith.constant 0.000000e+00 : f32
          %neg3A_1392 = arith.subf %neg3A_1391, %reduce_sum3A_1390 : f32
          %sub3A_1393 = arith.subf %neg3A_854, %neg3A_1392 : f32
          %add3A_1394 = arith.constant 5.000000e-01 : f32
          %add3A_1395 = arith.addf %sub3A_1393, %add3A_1394 : f32
          %max3A_1396 = arith.constant 0.000000e+00 : f32
          %max3A_1397 = arith.maximumf %add3A_1395, %max3A_1396 : f32
          %mul3A_1398 = arith.mulf %reduce_sum3A_252, %max3A_1397 : f32
          %add3A_1399 = arith.addf %scan3A_229, %mul3A_1398 : f32
          scf.yield %add3A_1399 : f32
        } else {
          scf.yield %scan3A_229 : f32
        }
        scf.yield %cond3A_314#0, %cond3A_314#1, %cond3A_320 : f32, f32, f32
      } else {
        scf.yield %scan3A_227, %scan3A_228, %scan3A_229 : f32, f32, f32
      }
      scf.yield %cond3A_257#0, %cond3A_257#1, %cond3A_257#2 : f32, f32, f32
    }
    %scan3A_191 = arith.constant 16 : i32
    %eq3A_192 = arith.constant 0 : i32
    %eq3A_193 = vector.broadcast %eq3A_192 : i32 to vector<16xi32>
    %eq3A_194 = arith.cmpi eq, %iota3A, %eq3A_193 : vector<16xi32>
    %eq3A_195 = arith.constant 1 : i32
    %eq3A_196 = vector.broadcast %eq3A_195 : i32 to vector<16xi32>
    %eq3A_197 = arith.cmpi eq, %iota3A, %eq3A_196 : vector<16xi32>
    %eq3A_198 = arith.constant 2 : i32
    %eq3A_199 = vector.broadcast %eq3A_198 : i32 to vector<16xi32>
    %eq3A_200 = arith.cmpi eq, %iota3A, %eq3A_199 : vector<16xi32>
    %eq3A_201 = arith.constant 3 : i32
    %eq3A_202 = vector.broadcast %eq3A_201 : i32 to vector<16xi32>
    %eq3A_203 = arith.cmpi eq, %iota3A, %eq3A_202 : vector<16xi32>
    %eq3A_204 = arith.constant 4 : i32
    %eq3A_205 = vector.broadcast %eq3A_204 : i32 to vector<16xi32>
    %eq3A_206 = arith.cmpi eq, %iota3A, %eq3A_205 : vector<16xi32>
    %eq3A_207 = arith.constant 5 : i32
    %eq3A_208 = vector.broadcast %eq3A_207 : i32 to vector<16xi32>
    %eq3A_209 = arith.cmpi eq, %iota3A, %eq3A_208 : vector<16xi32>
    %jit3A_210 = arith.constant 0.000000e+00 : f32
    %broadcast_in_dim3A_211 = vector.broadcast %reduce_sum3A_180 : f32 to vector<16xf32>
    %broadcast_in_dim3A_212 = vector.broadcast %jit3A_210 : f32 to vector<16xf32>
    %select_n3A_213 = arith.select %eq3A_209, %broadcast_in_dim3A_211, %broadcast_in_dim3A_212 : vector<16xi1>, vector<16xf32>
    %broadcast_in_dim3A_214 = vector.broadcast %reduce_sum3A_176 : f32 to vector<16xf32>
    %select_n3A_215 = arith.select %eq3A_206, %broadcast_in_dim3A_214, %select_n3A_213 : vector<16xi1>, vector<16xf32>
    %broadcast_in_dim3A_216 = vector.broadcast %reduce_sum3A_172 : f32 to vector<16xf32>
    %select_n3A_217 = arith.select %eq3A_203, %broadcast_in_dim3A_216, %select_n3A_215 : vector<16xi1>, vector<16xf32>
    %broadcast_in_dim3A_218 = vector.broadcast %scan3A_190#2 : f32 to vector<16xf32>
    %select_n3A_219 = arith.select %eq3A_200, %broadcast_in_dim3A_218, %select_n3A_217 : vector<16xi1>, vector<16xf32>
    %broadcast_in_dim3A_220 = vector.broadcast %scan3A_190#1 : f32 to vector<16xf32>
    %select_n3A_221 = arith.select %eq3A_197, %broadcast_in_dim3A_220, %select_n3A_219 : vector<16xi1>, vector<16xf32>
    %broadcast_in_dim3A_222 = vector.broadcast %scan3A_190#0 : f32 to vector<16xf32>
    %select_n3A_223 = arith.select %eq3A_194, %broadcast_in_dim3A_222, %select_n3A_221 : vector<16xi1>, vector<16xf32>
    %swap3A_224 = arith.constant 0 : index
    %swap3A_225 = tpu.vector_load %arg14[%swap3A_224] {strides = array<i32>} : memref<16xf32, #tpu.memory_space<vmem>>, vector<16xf32>,
    tpu.vector_store %arg14[%swap3A_224], %select_n3A_223 {strides = array<i32>} : memref<16xf32, #tpu.memory_space<vmem>>, vector<16xf32>,
    "tpu.region"() ({
      %run_scoped3A = tpu.sem_alloc : memref<!tpu.dma_semaphore, #tpu.memory_space<semaphore_mem>>
      %dma_start3A_226 = arith.constant 0 : i32
      %dma_start3A_227 = tpu.memref_slice %arg7[%add3A, %dma_start3A_226] : memref<32x16xf32, #tpu.memory_space<hbm>> -> memref<1x16xf32, #tpu.memory_space<hbm>>
      %dma_start3A_228 = tpu.memref_squeeze %dma_start3A_227 : memref<1x16xf32, #tpu.memory_space<hbm>> -> memref<16xf32, #tpu.memory_space<hbm>>
      %dma_start3A_229 = arith.constant 0 : i32
      %dma_start3A_230 = tpu.memref_slice %arg7[%add3A, %dma_start3A_229] : memref<32x16xf32, #tpu.memory_space<hbm>> -> memref<1x16xf32, #tpu.memory_space<hbm>>
      %dma_start3A_231 = tpu.memref_squeeze %dma_start3A_230 : memref<1x16xf32, #tpu.memory_space<hbm>> -> memref<16xf32, #tpu.memory_space<hbm>>
      tpu.enqueue_dma source(%arg14 : memref<16xf32, #tpu.memory_space<vmem>>) target(%dma_start3A_231 : memref<16xf32, #tpu.memory_space<hbm>>) target_semaphore(%run_scoped3A : memref<!tpu.dma_semaphore, #tpu.memory_space<semaphore_mem>>)
      %dma_wait3A_232 = arith.constant 0 : i32
      %dma_wait3A_233 = tpu.memref_slice %arg7[%add3A, %dma_wait3A_232] : memref<32x16xf32, #tpu.memory_space<hbm>> -> memref<1x16xf32, #tpu.memory_space<hbm>>
      %dma_wait3A_234 = tpu.memref_squeeze %dma_wait3A_233 : memref<1x16xf32, #tpu.memory_space<hbm>> -> memref<16xf32, #tpu.memory_space<hbm>>
      %dma_wait3A_235 = arith.constant 0 : i32
      %dma_wait3A_236 = tpu.memref_slice %arg7[%add3A, %dma_wait3A_235] : memref<32x16xf32, #tpu.memory_space<hbm>> -> memref<1x16xf32, #tpu.memory_space<hbm>>
      %dma_wait3A_237 = tpu.memref_squeeze %dma_wait3A_236 : memref<1x16xf32, #tpu.memory_space<hbm>> -> memref<16xf32, #tpu.memory_space<hbm>>
      tpu.wait_dma2 semaphore(%run_scoped3A : memref<!tpu.dma_semaphore, #tpu.memory_space<semaphore_mem>>) src(%arg14 : memref<16xf32, #tpu.memory_space<vmem>>) dst(%dma_wait3A_237 : memref<16xf32, #tpu.memory_space<hbm>>)
      tpu.yield
    }) : () -> ()
    return
  }
}

</mosaic_0001>

<sc_bundles>
// kernel: _run.3.cloned.1.call-start
scs
__scs_entry_jumppad:
0x0: {  	(pc) =	sbr.rel $0x88, $3  }
0x1: {  	(tag) =	ssettag $0x0;
	lr =	simm.s32 $0x1  }
0x2: {  	[smem:$0x3F9C] =	sst lr;
	_ =	strace $0xD0000000  }
0x3: {  	_ = 	snop  }
0x4: {  	_ = 	snop  }
0x5: {  	_ = 	snop  }
0x6: {  	_ = 	snop  }
0x7: {  	_ = 	snop  }
__scs_overlays_trampoline_lowered:
0x8: {  	[smem:$0x3FAB] =	sst s0  }
0x9: {  	[smem:$0x3FAC] =	sst s1  }
0xa: {  	[smem:$0x3FAD] =	sst s2  }
0xb: {  	[smem:$0x3FAE] =	sst s3  }
0xc: {  	[smem:$0x3FAF] =	sst s4  }
0xd: {  	[smem:$0x3FB0] =	sst s5  }
0xe: {  	[smem:$0x3FB1] =	sst s6  }
0xf: {  	[smem:$0x3FB2] =	sst s7  }
0x10: {  	[smem:$0x3FB3] =	sst s8  }
0x11: {  	[smem:$0x3FB4] =	sst s9;
	s0 =	simm.s32 @!p0 $0x0  }
0x12: {  	s1 =	sld [smem:$0x3F9A];
	s0 =	simm.s32 @p0 $0x1  }
0x13: {  	[smem:$0x3FB5] =	sst s0;
	s0 =	simm.s32 @!p1 $0x0  }
0x14: {  	s2 =	sld [smem:$0x3F99];
	s0 =	simm.s32 @p1 $0x1  }
0x15: {  	[smem:$0x3FB6] =	sst s0;
	s0 =	simm.s32 @!p2 $0x0  }
0x16: {  	s3 =	sld [smem:$0x3FDB];
	s0 =	simm.s32 @p2 $0x1  }
0x17: {  	s4 =	simm.s32 $0x1BF5;
	[smem:$0x3FB8] =	sst s0  }
0x18: {  	s0 =	sld [smem:$0x3F9B];
	_ =	swait.ge [sflag:s4], $0x0  }
0x19: {  	s7 =	sld [smem:$0x3F9C]  }
0x1a: {  	s8 =	sadd.s32 $0xFFFFE003, lr  }
0x1b: {  	s9 =	sadd.s32 $0xFFFFFEF7, lr;
	s5 =	simm.s32 $0xFFFFFFFF;
	p2 =	slt.u32 s8, $0xFFFFF086  }
0x1c: {  	p1 =	slt.u32 s9, $0xF7A;
	s5 =	simm.s32 @!p2 $0x0  }
0x1d: {  	s5 =	simm.s32 @p1 $0x1;
	p0 =	seq.s32 s7, s2  }
0x1e: {  	s7 =	smul.u32 @!p0 $0xF7A, s2;
	p2 =	seq.s32 @!p0 s5, $0x0  }
0x1f: {  	s9 =	smul.u32 $0xF7A, s1;
	s8 =	simm.s32 @!p0 $0x1BF5;
	p2 =	por !p2, p0  }
0x20: {  	[sflag:s8] =	ssyncset.s32 @!p0 $0xFFFFF086;
	s6 =	sadd.s32 @!p0 s3, s7;
	s7 =	simm.s32 @!p0 $0x108  }
0x21: {  	s3 =	sadd.s32 s3, s9;
	s6 =	sadd.s32 @!p0 $0x88, s6;
	s7 =	simm.s32 @p2 $0x1082  }
0x22: {  	[simem:s7], [sflag:s8] =	dma.local @!p0 [hbm:s6], $0xF7A  }
0x23: {  	s9 =	sor.u32 $0xD0000000, s2;
	s6 =	simm.s32 $0x108;
	_ =	swait.ge @!p0 [sflag:s8], $0x0  }
0x24: {  	s3 =	sadd.s32 $0x88, s3;
	s6 =	simm.s32 @!p1 $0x1082;
	[sflag:s4] =	ssyncset.s32 $0xFFFFF086  }
0x25: {  	[simem:s6], [sflag:s4] =	dma.local [hbm:s3], $0xF7A  }
0x26: {  	[smem:$0x3F9C] =	sst s1;
	(tag) =	ssettag s2;
	_ =	strace s9  }
0x27: {  	s1 =	sld [smem:$0x3FAC]  }
0x28: {  	s2 =	sld [smem:$0x3FAD]  }
0x29: {  	s4 =	sld [smem:$0x3FAF]  }
0x2a: {  	p0 =	seq.s32 s5, $0x0;
	s5 =	sld [smem:$0x3FB0]  }
0x2b: {  	s6 =	sld [smem:$0x3FB1]  }
0x2c: {  	s7 =	sld [smem:$0x3FB2]  }
0x2d: {  	s3 =	simm.s32 $0x108;
	s8 =	sld [smem:$0x3FB3]  }
0x2e: {  	s3 =	simm.s32 @!p0 $0x1082;
	s9 =	sld [smem:$0x3FB4]  }
0x2f: {  	lr =	sadd.s32 s0, s3;
	s0 =	sld [smem:$0x3FAB]  }
0x30: {  	s3 =	sld [smem:$0x3FAE]  }
0x31: {  	[smem:$0x3FB7] =	sst s10  }
0x32: {  	s10 =	sld [smem:$0x3FB5];
	_ =	sdelay $0x3  }
0x33: {  	p0 =	seq.s32 s10, $0x1;
	s10 =	sld [smem:$0x3FB7];
	_ =	sdelay $0x3  }
0x34: {  	[smem:$0x3FB7] =	sst s10  }
0x35: {  	s10 =	sld [smem:$0x3FB6];
	_ =	sdelay $0x3  }
0x36: {  	p1 =	seq.s32 s10, $0x1;
	s10 =	sld [smem:$0x3FB7];
	_ =	sdelay $0x3  }
0x37: {  	[smem:$0x3FB7] =	sst s10  }
0x38: {  	s10 =	sld [smem:$0x3FB8]  }
0x39: {  	_ = 	snop;
	(pc) =	sbr.ind lr, $3  }
0x3a: {  	_ = 	snop  }
0x3b: {  	_ = 	snop  }
0x3c: {  	p2 =	seq.s32 s10, $0x1;
	s10 =	sld [smem:$0x3FB7]  }
0x3d: {  	_ =	shalt  }
0x3e: {  	_ =	shalt  }
0x3f: {  	_ =	shalt  }
0x40: {  	_ =	shalt  }
0x41: {  	_ =	shalt  }
0x42: {  	_ =	shalt  }
0x43: {  	_ =	shalt  }
0x44: {  	_ =	shalt  }
0x45: {  	_ =	shalt  }
0x46: {  	_ =	shalt  }
0x47: {  	_ =	shalt  }
0x48: {  	_ =	shalt  }
0x49: {  	_ =	shalt  }
0x4a: {  	_ =	shalt  }
0x4b: {  	_ =	shalt  }
0x4c: {  	_ =	shalt  }
0x4d: {  	_ =	shalt  }
0x4e: {  	_ =	shalt  }
0x4f: {  	_ =	shalt  }
0x50: {  	_ =	shalt  }
0x51: {  	_ =	shalt  }
0x52: {  	_ =	shalt  }
0x53: {  	_ =	shalt  }
0x54: {  	_ =	shalt  }
0x55: {  	_ =	shalt  }
0x56: {  	_ =	shalt  }
0x57: {  	_ =	shalt  }
0x58: {  	_ =	shalt  }
0x59: {  	_ =	shalt  }
0x5a: {  	_ =	shalt  }
0x5b: {  	_ =	shalt  }
0x5c: {  	_ =	shalt  }
0x5d: {  	_ =	shalt  }
0x5e: {  	_ =	shalt  }
0x5f: {  	_ =	shalt  }
0x60: {  	_ =	shalt  }
0x61: {  	_ =	shalt  }
0x62: {  	_ =	shalt  }
0x63: {  	_ =	shalt  }
0x64: {  	_ =	shalt  }
0x65: {  	_ =	shalt  }
0x66: {  	_ =	shalt  }
0x67: {  	_ =	shalt  }
0x68: {  	_ =	shalt  }
0x69: {  	_ =	shalt  }
0x6a: {  	_ =	shalt  }
0x6b: {  	_ =	shalt  }
0x6c: {  	_ =	shalt  }
0x6d: {  	_ =	shalt  }
0x6e: {  	_ =	shalt  }
0x6f: {  	_ =	shalt  }
0x70: {  	_ =	shalt  }
0x71: {  	_ =	shalt  }
0x72: {  	_ =	shalt  }
0x73: {  	_ =	shalt  }
0x74: {  	_ =	shalt  }
0x75: {  	_ =	shalt  }
0x76: {  	_ =	shalt  }
0x77: {  	_ =	shalt  }
0x78: {  	_ =	shalt  }
0x79: {  	_ =	shalt  }
0x7a: {  	_ =	shalt  }
0x7b: {  	_ =	shalt  }
0x7c: {  	_ =	shalt  }
0x7d: {  	_ =	shalt  }
0x7e: {  	_ =	shalt  }
0x7f: {  	_ =	shalt  }
0x80: {  	_ =	shalt  }
0x81: {  	_ =	shalt  }
0x82: {  	_ =	shalt  }
0x83: {  	_ =	shalt  }
0x84: {  	_ =	shalt  }
0x85: {  	_ =	shalt  }
0x86: {  	_ =	shalt  }
0x87: {  	_ =	shalt  }
.Lfunc_end0:
.L_simem_size_0:
called_computation_lowered:
.L_overlay_start_0:
0x88: {  	s2 =	sld [smem:$0x3FD9]  }
0x89: {  	s3 =	sld [smem:$0x3FFE];
	_ =	sdelay $0x1  }
0x8a: {  	s1 =	srdreg.scid  }
0x8b: {  	s0 =	sand.u32 $0x1, s1  }
0x8c: {  	s17 =	sshll.u32 s0, $0xA;
	s2 =	sadd.s32 s3, s2  }
0x8d: {  	s2 =	sadd.s32 s2, s17  }
0x8e: {  	[smem:$0x3FC3] =	sst s2  }
0x8f: {  	_ = 	snop  }
0x90: {  	s2 =	sld [smem:$0x3FC9]  }
0x91: {  	s18 =	sld [smem:$0x3FC8]  }
0x92: {  	s4 =	sld [smem:$0x3FC7]  }
0x93: {  	s5 =	sld [smem:$0x3FC6]  }
0x94: {  	s6 =	sld [smem:$0x3FC5];
	(tm) =	ssettm $0x1  }
0x95: {  	s7 =	sld [smem:$0x3FFB];
	_ =	sdelay $0x3  }
0x96: {  	_ =	strace s7  }
0x97: {  	s7 =	sld [smem:$0x3FFC];
	_ =	sdelay $0x3  }
0x98: {  	_ =	strace s7  }
0x99: {  	s7 =	sld [smem:$0x3FFD];
	_ =	sdelay $0x3  }
0x9a: {  	_ =	strace s7  }
0x9b: {  	_ =	strace $0x8FFFFFFF  }
0x9c: {  	s19 =	sld [smem:$0x3FDB];
	_ =	sdelay $0x1  }
0x9d: {  	s8 =	simm.s32 $_scs_section_size  }
0x9e: {  	s9 =	simm.s32 $_size__tile_overlayer_lowered;
	s10 =	simm.s32 $_tile_overlayer_lowered  }
0x9f: {  	s22 =	simm.s32 $0x1BFF;
	s21 =	sshll.u32 s10, $0x1;
	s7 =	sadd.s32 s8, s19  }
0xa0: {  	s11 =	simm.s32 $0x0;
	s20 =	sshll.u32 s9, $0x1;
	s9 =	sadd.s32 s21, s7  }
0xa1: {  	[timem:s11], [sflag:s22] =	dma.local [hbm:s9], s20  }
0xa2: {  	_ =	swait.ge [sflag:s22], s20  }
0xa3: {  	s8 =	ssub.s32 $0x0, s20;
	[sflag:s22] =	ssyncset.done $0x0  }
0xa4: {  	[sflag:s22] =	ssyncadd.s32 s8;
	_ =	sdelay $0x1  }
0xa5: {  	s23 =	simm.s32 $0x1B8B  }
0xa6: {  	_ =	swait.ge [sflag:s23], $0x1  }
0xa7: {  	[sflag:s23] =	ssyncset.done $0x0  }
0xa8: {  	s25 =	simm.s32 $0x1B8E;
	s24 =	sld [smem:$0x3FFE];
	[sflag:s23] =	ssyncadd.s32 $0xFFFFFFFF  }
0xa9: {  	s26 =	simm.s32 $execute0_lowered;
	[smem:$0x3FD2] =	sst s25  }
0xaa: {  	s9 =	sshll.u32 s26, $0x1;
	_ =	strace $0x80000046;
	[dreg:$0x1] =	wrdreg $0xFFFFFFFF  }
0xab: {  	s28 =	simm.s32 $_size_execute0_lowered;
	s7 =	sadd.s32 s7, s9;
	[dreg:$0x0] =	wrdreg $0x0  }
0xac: {  	s9 =	sshll.u32 s28, $0x1;
	[dreg:$0x2] =	wrdreg s7  }
0xad: {  	[dreg:$0x3] =	wrdreg s9  }
0xae: {  	[dreg:$0x4] =	wrdreg $0xC0  }
0xaf: {  	_ =	task [dreg:s11], $0x5FFFF  }
0xb0: {  	[dreg:$0x1] =	wrdreg $0xFFFFFFFF  }
0xb1: {  	[dreg:$0x0] =	wrdreg $0x60  }
0xb2: {  	[dreg:$0x2] =	wrdreg s2  }
0xb3: {  	[dreg:$0x3] =	wrdreg s18  }
0xb4: {  	[dreg:$0x4] =	wrdreg s4  }
0xb5: {  	[dreg:$0x5] =	wrdreg s5  }
0xb6: {  	[dreg:$0x6] =	wrdreg s6  }
0xb7: {  	[dreg:$0x7] =	wrdreg s24  }
0xb8: {  	[dreg:$0x8] =	wrdreg $0x9  }
0xb9: {  	_ =	task.clear_ibuf [dreg:s11], $0x9FFFF;
	_ =	strace $0x90000046  }
0xba: {  	s29 =	simm.s32 $0x9;
	_ =	strace $0x80000048  }
0xbb: {  	_ =	swait.ge [sflag:s29], $0x1  }
0xbc: {  	[sflag:s29] =	ssyncadd.s32 $0xFFFFFFFF  }
0xbd: {  	_ =	strace $0x90000048  }
0xbe: {  	_ =	sfence  }
0xbf: {  	s30 =	sld [smem:$0x0];
	_ =	sdelay $0x2  }
0xc0: {  	s31 =	sshll.u32 s1, $0xD;
	s1 =	sshrl.u32 s1, $0x2  }
0xc1: {  	s3 =	sand.u32 $0x4000, s31;
	s1 =	sadd.s32 s1, s30  }
0xc2: {  	s0 =	sor.u32 s3, s0;
	s1 =	sshll.u32 s1, $0x11  }
0xc3: {  	s0 =	sor.u32 s1, s0  }
0xc4: {  	s0 =	sadd.s32 $0x8F2B, s0  }
0xc5: {  	[sflag:s0] =	ssyncadd.remote.s32 $0x1  }
0xc6: {  	_ =	sfence.sel $0xFFFF  }
0xc7: {  	[dreg:$0x0] =	wrdreg $0xFFFFFFFF;
	(pc) =	sbr.abs _section_cstart, $3  }
0xc8: {  	[dreg:$0x1] =	wrdreg $0xFFFFFFFF  }
0xc9: {  	_ =	task.clear_ibuf [dreg:s11], $0x2FFFF;
	_ =	strace $0x9FFFFFFF  }
0xca: {  	(tm) =	ssettm $0x7FFFFFFF  }
0xcb: {  	_ =	shalt  }
tec
execute0_lowered:
.L_overlay_start_1:
0x0: {  	(tag) =	ssettag $0x1  }
0x1: {  	s1 =	rddreg [dreg:$0x0]  }
0x2: {  	s6 =	rddreg [dreg:$0x1]  }
0x3: {  	s7 =	rddreg [dreg:$0x2]  }
0x4: {  	s8 =	rddreg [dreg:$0x3]  }
0x5: {  	s2 =	rddreg [dreg:$0x4]  }
0x6: {  	s5 =	rddreg [dreg:$0x5]  }
0x7: {  	s0 =	rddreg [dreg:$0x6]  }
0x8: {  	s4 =	simm.s32 $0x0;
	s9 =	srdreg.scid;
	s3 =	stileid.u32  }
0x9: {  	s16 =	simm.s32 $0x200;
	s17 =	simm.s32 $0x280;
	s18 =	simm.s32 $0x1A80  }
0xa: {  	s19 =	simm.s32 $0x2;
	s20 =	simm.s32 $0x0;
	[smem:$0x7FF] =	sst s4  }
0xb: {  	s9 =	sand.u32 $0x1, s9;
	s10 =	sshll.u32 s3, $0x5;
	s12 =	sshrl.u32 s3, $0x1  }
0xc: {  	_ =	strace $0x80000047;
	s11 =	sshll.u32 s9, $0x4;
	s9 =	ssub.s32 $0x2, s9  }
0xd: {  	s13 =	sshll.u32 s12, $0x4;
	s15 =	sshll.u32 s12, $0xC;
	v4 =	vmov s12;
	s12 =	simm.s32 $0x100  }
.Ltmp0:
0xe: {  	s10 =	sor.u32 s11, s10;
	s31 =	sshrl.u32 s9, $0x1;
	(pc) =	sbr.rel .LBB2_1-.Ltmp0, $4  }
0xf: {  	v0 =	vlaneseq.u32;
	v6 =	vimm.f32 $0.0e+00;
	s6 =	sadd.s32 s6, s13;
	s7 =	sadd.s32 s7, s13;
	s8 =	sadd.s32 s8, s13  }
0x10: {  	v7 =	vimm.s32 $0xFFFFFF81;
	vm0 =	vcmask $0x1714;
	v1 =	vadd.s32 $0x1, v0;
	s13 =	simm.s32 $0x180;
	s11 =	sadd.s32 s10, s5;
	s5 =	sand.u32 $0x30, s10  }
0x11: {  	vm1 =	vcmask $0x3F14;
	v5 =	vmov s15;
	s15 =	simm.s32 $0x30;
	s14 =	ssub.s32 s9, s31;
	v1 =	vadd.s32 s5, v1;
	s9 =	sadd.s32 $0x200, s11  }
0x12: {  	vm2 =	vcmask $0x3F10;
	s10 =	smax.u32 s14, $0x1;
	s11 =	simm.s32 $0x80;
	v2 =	vor.u32 s5, v0;
	s14 =	simm.s32 $0x1;
	v3 =	vmin.u32 v1, $0x3F  }
.LBB2_8:
0x13: {  	(xrf2) =	vadd.scan.msk.f32 $0xffff, v8  }
0x14: {  	(xrf2) =	vadd.scan.msk.f32 $0xffff, v9  }
0x15: {  	(xrf2) =	vadd.scan.msk.f32 $0xffff, v10;
	_ =	sdelay $0x7  }
0x16: {  	v8, _, _ =	vpop (xrf2)  }
0x17: {  	v9, _, _ =	vpop (xrf2)  }
0x18: {  	v10, _, _ =	vpop (xrf2)  }
0x19: {  	v10 =	vbroadcast v10, $0xF  }
0x1a: {  	v9 =	vbroadcast v9, $0xF  }
0x1b: {  	v8 =	vbroadcast v8, $0xF;
	v10 =	vnsel vm0, $0x0, v10  }
0x1c: {  	v9 =	vsel vm1, v10, v9  }
0x1d: {  	vm3 =	veq.s32 v0, $0x0;
	v8 =	vsel vm2, v9, v8  }
0x1e: {  	v8 =	vsel vm3, s23, v8;
	vm3 =	veq.s32 v0, $0x1  }
0x1f: {  	s20 =	sadd.s32 $0x1, s20;
	v8 =	vsel vm3, s22, v8;
	vm3 =	veq.s32 v0, $0x2  }
0x20: {  	p0 =	sne.s32 s20, s10;
	v8 =	vsel vm3, s21, v8  }
.Ltmp1:
0x21: {  	[tilespmem:$0x1A80] =	vst v8;
	(pc) =	sbr.rel @!p0 .LBB2_9-.Ltmp1, $4  }
0x22: {  	[hbm4b:s9+s4] =	stream.linear.scatter [tilespmem:s18], [sflag:$0x2], $0x80, $0x38;
	[tilespmem:$0x1B00] =	vst v63  }
0x23: {  	_ =	swait.ge [sflag:s19], $0x80  }
0x24: {  	[sflag:s19] =	ssyncset.done $0x0  }
0x25: {  	[sflag:s19] =	ssyncadd.s32 $0xFFFFFF80  }
.LBB2_1:
0x26: {  	[tilespmem:s4], [sflag:$0x1] =	stream.linear.gather [hbm4b:s6+s4], $0x80, $0x38;
	[tilespmem:$0x1B00] =	vst v63  }
0x27: {  	_ = 	snop  }
0x28: {  	[tilespmem:s11], [sflag:$0x1] =	stream.linear.gather [hbm4b:s7+s4], $0x80, $0x38;
	[tilespmem:$0x1B00] =	vst v63  }
0x29: {  	_ = 	snop  }
0x2a: {  	[tilespmem:s12], [sflag:$0x1] =	stream.linear.gather [hbm4b:s8+s4], $0x80, $0x38;
	[tilespmem:$0x1B00] =	vst v63  }
0x2b: {  	_ = 	snop  }
0x2c: {  	[tilespmem:s13], [sflag:$0x1] =	stream.linear.gather [hbm4b:s2+s4], $0x80, $0x38;
	[tilespmem:$0x1B00] =	vst v63  }
0x2d: {  	_ =	swait.ge [sflag:s14], $0x80  }
0x2e: {  	[sflag:s14] =	ssyncset.done $0x0  }
0x2f: {  	[sflag:s14] =	ssyncadd.s32 $0xFFFFFF80  }
0x30: {  	_ =	swait.ge [sflag:s14], $0x80  }
0x31: {  	[sflag:s14] =	ssyncset.done $0x0  }
0x32: {  	[sflag:s14] =	ssyncadd.s32 $0xFFFFFF80  }
0x33: {  	_ =	swait.ge [sflag:s14], $0x80  }
0x34: {  	[sflag:s14] =	ssyncset.done $0x0  }
0x35: {  	[sflag:s14] =	ssyncadd.s32 $0xFFFFFF80  }
0x36: {  	_ =	swait.ge [sflag:s14], $0x80  }
0x37: {  	[sflag:s14] =	ssyncset.done $0x0  }
0x38: {  	[sflag:s14] =	ssyncadd.s32 $0xFFFFFF80  }
0x39: {  	v8 =	vld [tilespmem:s5+$0x80]  }
0x3a: {  	v9 =	vld [tilespmem:s5+$0x100]  }
0x3b: {  	v11 =	vld [tilespmem:s5+$0x0]  }
0x3c: {  	v10 =	vld.idx.msk [tilespmem:v3+s12+$0x0], $0xffff;
	_ =	sdelay $0x1  }
0x3d: {  	v13 =	vld.idx.msk [tilespmem:v3+s4+$0x0], $0xffff  }
0x3e: {  	v12 =	vld.idx.msk [tilespmem:v4+s13+$0x0], $0xffff;
	vm3 =	vgt.s32 v8, $0x0  }
0x3f: {  	vm4 =	veq.s32 v11, $0x3;
	v14 =	vnsel vm3, $0x0, v8;
	vm3 =	vgt.s32 v9, $0x0  }
0x40: {  	v14 =	vmin.u32 v14, $0xFFF;
	v15 =	vnsel vm3, $0x0, v9;
	vm3 =	vgt.s32 v10, $0x0  }
0x41: {  	v14 =	vor.u32 v5, v14;
	v15 =	vmin.u32 v15, $0xFFF;
	v16 =	vnsel vm3, $0x0, v10  }
0x42: {  	vm5 =	veq.s32 v13, $0x4;
	[tilespmem:$0x200] =	vst v14;
	v61 =	vor.u32 v5, v15;
	v62 =	vmin.u32 v16, $0xFFF  }
0x43: {  	vm7 =	vlt.s32 v1, v12;
	vm13 =	vlt.s32 v10, $0x1000;
	[tilespmem:$0x210] =	vst v61;
	v63 =	vor.u32 v5, v62  }
.Ltmp2:
0x44: {  	vm14 =	veq.s32 v11, $0x2;
	v8 =	vor.u32 v8, v9;
	vm4 =	vmand vm4, vm5;
	[tilespmem:$0x220] =	vst v63;
	(pc) =	sbr.rel .LBB2_2-.Ltmp2, $4  }
0x45: {  	vm6 =	vlt.u32 v8, $0x1000;
	vm4 =	vmand vm4, vm7;
	vm3 =	vlt.s32 v2, v12;
	[tilespmem:s17], [sflag:$0x1] =	stream.indirect.gather [hbm4b:s1+s15], $0x80, s16, s15, $0xb8;
	[tilespmem:$0x1B00] =	vst v63  }
0x46: {  	s21 =	simm.f32 $0.0e+00;
	vm15 =	veq.s32 v11, $0x5;
	vm4 =	vmand vm13, vm4;
	vm3 =	vmand vm6, vm3;
	_ =	swait.ge [sflag:s14], $0x1800  }
0x47: {  	s24 =	simm.s32 $0xAC0;
	s22 =	simm.f32 $0.0e+00;
	vm6 =	vmand vm14, vm3;
	vm4 =	vmand vm3, vm4;
	vm3 =	vmand vm15, vm3;
	[sflag:s14] =	ssyncset.done $0x0  }
0x48: {  	s23 =	simm.f32 $0.0e+00;
	s25 =	simm.s32 $0x0;
	v8 =	vsel vm6, $0x3F800000, v6;
	v9 =	vsel vm4, $0x3F800000, v6;
	v10 =	vsel vm3, $0x3F800000, v6;
	[sflag:s14] =	ssyncadd.s32 $0xFFFFE800  }
.LBB2_7:
0x49: {  	s25 =	sadd.s32 $0x1, s25  }
0x4a: {  	p0 =	sne.s32 s25, $0x10  }
.Ltmp3:
0x4b: {  	_ = 	snop;
	(pc) =	sbr.rel @!p0 .LBB2_8-.Ltmp3, $2  }
0x4c: {  	_ =	sdelay $0x2  }
0x4d: {  	s24 =	sadd.s32 $0x80, s24  }
.LBB2_2:
0x4e: {  	v11 =	vmov s25  }
0x4f: {  	vm3 =	veq.s32 v11, v0  }
0x50: {  	v11 =	vnsel vm3, $0x0, v8  }
0x51: {  	(xrf2) =	vadd.scan.msk.f32 $0xffff, v11;
	v11 =	vnsel vm3, $0x0, v9  }
0x52: {  	(xrf2) =	vadd.scan.msk.f32 $0xffff, v11  }
0x53: {  	v11 =	vnsel vm3, $0x0, v10  }
0x54: {  	(xrf2) =	vadd.scan.msk.f32 $0xffff, v11;
	_ =	sdelay $0x6  }
0x55: {  	v11, _, _ =	vpop (xrf2)  }
0x56: {  	v12, _, _ =	vpop (xrf2);
	(v2sf) =	vpush v11, $0xF  }
0x57: {  	(v2sf) =	vpush v12, $0xF  }
0x58: {  	v11, _, _ =	vpop (xrf2)  }
0x59: {  	(v2sf) =	vpush v11, $0xF;
	_ =	sdelay $0xb  }
0x5a: {  	s28 =	spop (v2sf)  }
0x5b: {  	s29 =	spop (v2sf)  }
0x5c: {  	s30 =	sadd.f32 s29, s28  }
0x5d: {  	s26 =	spop (v2sf)  }
0x5e: {  	s31 =	sadd.f32 s30, s26;
	_ =	sdelay $0x1  }
0x5f: {  	p0 =	sgt.f32 s31, $0.0e+00  }
.Ltmp4:
0x60: {  	_ = 	snop;
	(pc) =	sbr.rel @!p0 .LBB2_7-.Ltmp4, $1  }
0x61: {  	_ =	sdelay $0x3  }
0x62: {  	v17 =	vld [tilespmem:s24+$0xFFFFF7C0]  }
0x63: {  	v18 =	vld [tilespmem:s24+$0xFFFFF7D0]  }
0x64: {  	v16 =	vld [tilespmem:s24+$0xFFFFF7E0]  }
0x65: {  	v15 =	vld [tilespmem:s24+$0xFFFFF7F0]  }
0x66: {  	v14 =	vld [tilespmem:s24+$0xFFFFF800]  }
0x67: {  	v13 =	vld [tilespmem:s24+$0xFFFFF810]  }
0x68: {  	v12 =	vld [tilespmem:s24+$0xFFFFF820]  }
0x69: {  	v11 =	vld [tilespmem:s24+$0xFFFFF830]  }
0x6a: {  	v24 =	vld [tilespmem:s24+$0xFFFFFFC0]  }
0x6b: {  	v25 =	vld [tilespmem:s24+$0xFFFFFFD0]  }
0x6c: {  	v26 =	vld [tilespmem:s24+$0xFFFFFFE0];
	p0 =	sgt.f32 s30, $0.0e+00  }
.Ltmp5:
0x6d: {  	v23 =	vld [tilespmem:s24+$0xFFFFFFF0];
	(pc) =	sbr.rel @!p0 .LBB2_5-.Ltmp5, $4  }
0x6e: {  	v22 =	vld [tilespmem:s24+$0x0]  }
0x6f: {  	v20 =	vld [tilespmem:s24+$0x10]  }
0x70: {  	v21 =	vld [tilespmem:s24+$0x20]  }
0x71: {  	v19 =	vld [tilespmem:s24+$0x30]  }
0x72: {  	v27 =	vld [tilespmem:s24+$0x7C0]  }
0x73: {  	v28 =	vld [tilespmem:s24+$0x7D0];
	_ =	sdelay $0x1  }
0x74: {  	v29 =	vld [tilespmem:s24+$0x7E0];
	_ =	sdelay $0x1  }
0x75: {  	v30 =	vld [tilespmem:s24+$0x7F0];
	v31 =	vsub.f32 v24, v17;
	v32 =	vsub.f32 v25, v18  }
0x76: {  	v27 =	vsub.f32 v27, v17;
	v28 =	vsub.f32 v28, v18  }
0x77: {  	v33 =	vld [tilespmem:s24+$0x800];
	v34 =	vsub.f32 v26, v16;
	v31 =	vmul.f32 v31, v31;
	v32 =	vmul.f32 v32, v32  }
0x78: {  	v29 =	vsub.f32 v29, v16;
	v27 =	vmul.f32 v27, v27;
	v28 =	vmul.f32 v28, v28  }
0x79: {  	v35 =	vld [tilespmem:s24+$0x810];
	v39 =	vsub.f32 v23, v15;
	v38 =	vmul.f32 v34, v34;
	v31 =	vadd.f32 v32, v31  }
0x7a: {  	v41 =	vsub.f32 v30, v15;
	v40 =	vmul.f32 v29, v29;
	v27 =	vadd.f32 v28, v27  }
0x7b: {  	v42 =	vld [tilespmem:s24+$0x820];
	v44 =	vsub.f32 v22, v14;
	v43 =	vmul.f32 v39, v39;
	v31 =	vadd.f32 v38, v31  }
0x7c: {  	v46 =	vsub.f32 v33, v14;
	v45 =	vmul.f32 v41, v41;
	v27 =	vadd.f32 v40, v27  }
0x7d: {  	v47 =	vld [tilespmem:s24+$0x830];
	v49 =	vsub.f32 v20, v13;
	v48 =	vmul.f32 v44, v44;
	v31 =	vadd.f32 v43, v31  }
0x7e: {  	v51 =	vsub.f32 v35, v13;
	v50 =	vmul.f32 v46, v46;
	v27 =	vadd.f32 v45, v27  }
0x7f: {  	v53 =	vsub.f32 v21, v12;
	v52 =	vmul.f32 v49, v49;
	v31 =	vadd.f32 v48, v31  }
0x80: {  	v55 =	vsub.f32 v42, v12;
	v54 =	vmul.f32 v51, v51;
	v27 =	vadd.f32 v50, v27  }
0x81: {  	v58 =	vsub.f32 v19, v11;
	v57 =	vmul.f32 v53, v53;
	v56 =	vadd.f32 v52, v31  }
0x82: {  	v60 =	vsub.f32 v47, v11;
	v59 =	vmul.f32 v55, v55;
	v27 =	vadd.f32 v54, v27  }
0x83: {  	v61 =	vmul.f32 v58, v58;
	v30 =	vadd.f32 v57, v56  }
0x84: {  	v62 =	vmul.f32 v60, v60;
	v27 =	vadd.f32 v59, v27  }
0x85: {  	v63 =	vadd.f32 v61, v30  }
0x86: {  	v27 =	vadd.f32 v62, v27  }
0x87: {  	(xrf2) =	vadd.scan.msk.f32 $0xffff, v63  }
0x88: {  	(xrf2) =	vadd.scan.msk.f32 $0xffff, v27;
	_ =	sdelay $0x8  }
0x89: {  	v27, _, _ =	vpop (xrf2)  }
0x8a: {  	(v2sf) =	vpush v27, $0xF;
	v27, _, _ =	vpop (xrf2)  }
0x8b: {  	(v2sf) =	vpush v27, $0xF;
	_ =	sdelay $0xd  }
0x8c: {  	s30 =	spop (v2sf)  }
0x8d: {  	s30 =	smul.f32 $7.812500000e-03, s30;
	s31 =	spop (v2sf)  }
0x8e: {  	s31 =	smul.f32 $7.812500000e-03, s31  }
0x8f: {  	s28 =	smul.f32 s30, s28  }
0x90: {  	s29 =	smul.f32 s31, s29  }
0x91: {  	s23 =	sadd.f32 s28, s23  }
0x92: {  	s22 =	sadd.f32 s29, s22  }
.LBB2_5:
0x93: {  	p0 =	sgt.f32 s26, $0.0e+00  }
.Ltmp6:
0x94: {  	_ = 	snop;
	(pc) =	sbr.rel @!p0 .LBB2_7-.Ltmp6, $1  }
0x95: {  	_ =	sdelay $0x3  }
0x96: {  	v24 =	vmul.f32 v24, v24;
	v25 =	vmul.f32 v25, v25;
	_ =	sdelay $0x1  }
0x97: {  	v26 =	vmul.f32 v26, v26;
	v27 =	vadd.f32 v25, v24;
	_ =	sdelay $0x1  }
0x98: {  	v23 =	vmul.f32 v23, v23;
	v27 =	vadd.f32 v26, v27;
	_ =	sdelay $0x1  }
0x99: {  	v28 =	vmul.f32 v22, v22;
	v44 =	vadd.f32 v23, v27;
	_ =	sdelay $0x1  }
0x9a: {  	v27 =	vmul.f32 v20, v20;
	v45 =	vadd.f32 v28, v44;
	_ =	sdelay $0x1  }
0x9b: {  	v29 =	vmul.f32 v21, v21;
	v20 =	vadd.f32 v27, v45;
	_ =	sdelay $0x1  }
0x9c: {  	v30 =	vmul.f32 v19, v19;
	v46 =	vadd.f32 v29, v20;
	_ =	sdelay $0x1  }
0x9d: {  	v19 =	vadd.f32 v30, v46;
	_ =	sdelay $0x1  }
0x9e: {  	(xrf2) =	vadd.scan.msk.f32 $0xffff, v19;
	_ =	sdelay $0x9  }
0x9f: {  	v19, _, _ =	vpop (xrf2)  }
0xa0: {  	v19 =	vadd.f32 $9.999999710e-10, v19;
	_ =	sdelay $0x1  }
0xa1: {  	v19 =	vbroadcast v19, $0xF;
	_ =	sdelay $0x1  }
0xa2: {  	(erf) = vrcp.f32 v19;
	_ =	sdelay $0x8  }
0xa3: {  	v31 =	vpop (erf)  }
0xa4: {  	v20 =	vmul.f32 v31, v24;
	_ =	sdelay $0x1  }
0xa5: {  	v47 =	vadd.f32 $9.999999710e-10, v20;
	_ =	sdelay $0x1  }
0xa6: {  	v48 =	vand.u32 $0x7FFFFF, v47  }
0xa7: {  	v19 =	vor.u32 $0x3F800000, v48  }
0xa8: {  	v22 =	vmul.f32 v31, v25;
	v49 =	vmul.f32 $5.000000000e-01, v19  }
0xa9: {  	vm6 =	vge.f32 v19, $1.414213540e+00  }
0xaa: {  	v25 =	vadd.f32 $9.999999710e-10, v22;
	v19 =	vsel vm6, v49, v19  }
0xab: {  	v24 =	vadd.f32 $1.000000000e+00, v19  }
0xac: {  	v50 =	vand.u32 $0x7FFFFF, v25  }
0xad: {  	(erf) = vrcp.f32 v24;
	v24 =	vor.u32 $0x3F800000, v50  }
0xae: {  	v32 =	vmul.f32 $5.000000000e-01, v24  }
0xaf: {  	vm5 =	vge.f32 v24, $1.414213540e+00  }
0xb0: {  	v24 =	vsel vm5, v32, v24  }
0xb1: {  	v32 =	vadd.f32 $1.000000000e+00, v24;
	_ =	sdelay $0x1  }
0xb2: {  	(erf) = vrcp.f32 v32;
	_ =	sdelay $0x1  }
0xb3: {  	v26 =	vmul.f32 v31, v26;
	_ =	sdelay $0x1  }
0xb4: {  	v33 =	vadd.f32 $9.999999710e-10, v26;
	v19 =	vadd.f32 $-1.000000000e+00, v19  }
0xb5: {  	v51 =	vpop (erf)  }
0xb6: {  	v52 =	vand.u32 $0x7FFFFF, v33;
	v32 =	vmul.f32 v51, v19  }
0xb7: {  	v19 =	vor.u32 $0x3F800000, v52  }
0xb8: {  	v24 =	vadd.f32 $-1.000000000e+00, v24;
	v36 =	vmul.f32 $5.000000000e-01, v19;
	v34 =	vmul.f32 v32, v32  }
0xb9: {  	vm4 =	vge.f32 v19, $1.414213540e+00;
	v37 =	vpop (erf)  }
0xba: {  	v36 =	vsel vm4, v36, v19;
	v35 =	vmul.f32 $1.111111120e-01, v34;
	v24 =	vmul.f32 v37, v24  }
0xbb: {  	v19 =	vmul.f32 v31, v23;
	v53 =	vadd.f32 $1.000000000e+00, v36  }
0xbc: {  	v35 =	vadd.f32 $1.428571490e-01, v35;
	v38 =	vmul.f32 v24, v24  }
0xbd: {  	(erf) = vrcp.f32 v53;
	v37 =	vadd.f32 $9.999999710e-10, v19  }
0xbe: {  	v35 =	vmul.f32 v35, v34;
	v55 =	vmul.f32 $1.111111120e-01, v38  }
0xbf: {  	v39 =	vand.u32 $0x7FFFFF, v37  }
0xc0: {  	v39 =	vor.u32 $0x3F800000, v39;
	v54 =	vadd.f32 $2.000000030e-01, v35;
	v35 =	vadd.f32 $1.428571490e-01, v55  }
0xc1: {  	v40 =	vmul.f32 $5.000000000e-01, v39  }
0xc2: {  	v23 =	vmul.f32 v54, v34;
	v35 =	vmul.f32 v35, v38  }
0xc3: {  	v17 =	vmul.f32 v17, v17;
	vm3 =	vge.f32 v39, $1.414213540e+00  }
0xc4: {  	v57 =	vsel vm3, v40, v39;
	v23 =	vadd.f32 $3.333333430e-01, v23;
	v56 =	vadd.f32 $2.000000030e-01, v35  }
0xc5: {  	v21 =	vmul.f32 v31, v28;
	v36 =	vadd.f32 $-1.000000000e+00, v36;
	v39 =	vadd.f32 $1.000000000e+00, v57  }
0xc6: {  	v59 =	vpop (erf);
	v23 =	vmul.f32 v23, v34;
	v34 =	vmul.f32 v56, v38  }
0xc7: {  	(erf) = vrcp.f32 v39;
	v39 =	vadd.f32 $9.999999710e-10, v21;
	v36 =	vmul.f32 v59, v36  }
0xc8: {  	v18 =	vmul.f32 v18, v18;
	v23 =	vadd.f32 $1.000000000e+00, v23;
	v60 =	vadd.f32 $3.333333430e-01, v34  }
0xc9: {  	v41 =	vshra.s32 v47, $0x17;
	v62 =	vand.u32 $0x7FFFFF, v39;
	v61 =	vmul.f32 v36, v36  }
0xca: {  	v46 =	vor.u32 $0x3F800000, v62;
	v23 =	vmul.f32 v23, v32;
	v45 =	vmul.f32 v60, v38  }
0xcb: {  	v25 =	vshra.s32 v25, $0x17;
	v40 =	vmul.f32 $5.000000000e-01, v46;
	v47 =	vmul.f32 $1.111111120e-01, v61  }
0xcc: {  	vm14 =	vge.f32 v46, $1.414213540e+00;
	v63 =	vmul.f32 $2.885390040e+00, v23;
	v23 =	vadd.f32 $1.000000000e+00, v45  }
0xcd: {  	v58 =	vsel vm6, $0xFFFFFF82, v7;
	v32 =	vsel vm14, v40, v46;
	v38 =	vadd.f32 $1.428571490e-01, v47  }
0xce: {  	v40 =	vadd.f32 $1.000000000e+00, v32;
	v24 =	vmul.f32 v23, v24;
	v23 =	vmul.f32 v31, v27  }
0xcf: {  	v33 =	vshra.s32 v33, $0x17;
	v28 =	vadd.s32 v41, v58;
	v48 =	vmul.f32 v38, v61  }
0xd0: {  	v42 =	vsel vm5, $0xFFFFFF82, v7;
	(erf) = vrcp.f32 v40;
	v40 =	vadd.f32 $9.999999710e-10, v23  }
0xd1: {  	v25 =	vadd.s32 v25, v42;
	v35 =	vadd.f32 $-1.000000000e+00, v57;
	v27 =	vadd.f32 $2.000000030e-01, v48  }
0xd2: {  	v25 =	vcvt.s32.f32 v25;
	v49 =	vpop (erf);
	v24 =	vmul.f32 $2.885390040e+00, v24;
	v50 =	vand.u32 $0x7FFFFF, v40  }
0xd3: {  	v35 =	vmul.f32 v49, v35;
	v51 =	vmul.f32 v27, v61;
	v53 =	vor.u32 $0x3F800000, v50  }
0xd4: {  	v38 =	vadd.f32 v25, v24;
	v24 =	vmul.f32 v31, v29;
	v54 =	vmul.f32 $5.000000000e-01, v53  }
0xd5: {  	v28 =	vcvt.s32.f32 v28;
	v25 =	vadd.f32 $3.333333430e-01, v51;
	vm15 =	vge.f32 v53, $1.414213540e+00  }
0xd6: {  	v52 =	vmul.f32 v35, v35;
	v42 =	vadd.f32 $9.999999710e-10, v24;
	v41 =	vsel vm15, v54, v53  }
0xd7: {  	v34 =	vmul.f32 v25, v61;
	v25 =	vmul.f32 v31, v30;
	v44 =	vadd.f32 $1.000000000e+00, v41  }
0xd8: {  	v55 =	vsel vm4, $0xFFFFFF82, v7;
	v57 =	vadd.f32 $-1.000000000e+00, v32;
	v43 =	vmul.f32 $1.111111120e-01, v52  }
0xd9: {  	v58 =	vand.u32 $0x7FFFFF, v42;
	(erf) = vrcp.f32 v44;
	v44 =	vadd.f32 $9.999999710e-10, v25  }
0xda: {  	v28 =	vadd.f32 v28, v63;
	v29 =	vadd.s32 v33, v55;
	v32 =	vor.u32 $0x3F800000, v58  }
0xdb: {  	v56 =	vadd.f32 $1.428571490e-01, v43;
	v60 =	vmul.f32 $5.000000000e-01, v32;
	v61 =	vand.u32 $0x7FFFFF, v44  }
0xdc: {  	v29 =	vcvt.s32.f32 v29;
	v59 =	vpop (erf);
	vm7 =	vge.f32 v32, $1.414213540e+00;
	v62 =	vor.u32 $0x3F800000, v61  }
0xdd: {  	v31 =	vmul.f32 v59, v57;
	v32 =	vsel vm7, v60, v32;
	v46 =	vmul.f32 $5.000000000e-01, v62  }
0xde: {  	v30 =	vmul.f32 v56, v52;
	v63 =	vadd.f32 $1.000000000e+00, v32;
	vm9 =	vge.f32 v62, $1.414213540e+00  }
0xdf: {  	v34 =	vadd.f32 $1.000000000e+00, v34;
	v45 =	vmul.f32 v31, v31;
	v33 =	vsel vm9, v46, v62  }
0xe0: {  	v30 =	vadd.f32 $2.000000030e-01, v30;
	(erf) = vrcp.f32 v63;
	v49 =	vadd.f32 $1.000000000e+00, v33  }
0xe1: {  	v34 =	vmul.f32 v34, v36;
	v47 =	vmul.f32 $1.111111120e-01, v45  }
0xe2: {  	v30 =	vmul.f32 v30, v52;
	(erf) = vrcp.f32 v49  }
0xe3: {  	v41 =	vadd.f32 $-1.000000000e+00, v41;
	v34 =	vmul.f32 $2.885390040e+00, v34;
	v48 =	vadd.f32 $1.428571490e-01, v47  }
0xe4: {  	v15 =	vmul.f32 v15, v15;
	v20 =	vmul.f32 v28, v20;
	v30 =	vadd.f32 $3.333333430e-01, v30;
	v50 =	vpop (erf)  }
0xe5: {  	v51 =	vadd.f32 v29, v34;
	v36 =	vmul.f32 v48, v45;
	v29 =	vmul.f32 v50, v41  }
0xe6: {  	v20 =	vadd.f32 $0.0e+00, v20;
	v55 =	vsel vm3, $0xFFFFFF82, v7;
	v54 =	vshra.s32 v37, $0x17  }
0xe7: {  	v27 =	vmul.f32 v30, v52;
	v52 =	vadd.f32 $2.000000030e-01, v36;
	v53 =	vmul.f32 v29, v29  }
0xe8: {  	v22 =	vmul.f32 v38, v22;
	v32 =	vadd.f32 $-1.000000000e+00, v32;
	v34 =	vadd.s32 v54, v55  }
0xe9: {  	v27 =	vadd.f32 $1.000000000e+00, v27;
	v30 =	vmul.f32 v52, v45;
	v57 =	vpop (erf);
	v56 =	vmul.f32 $1.111111120e-01, v53  }
0xea: {  	v34 =	vcvt.s32.f32 v34;
	v33 =	vadd.f32 $-1.000000000e+00, v33;
	v32 =	vmul.f32 v57, v32  }
0xeb: {  	v27 =	vmul.f32 v27, v35;
	v30 =	vadd.f32 $3.333333430e-01, v30;
	v58 =	vadd.f32 $1.428571490e-01, v56;
	v61 =	vpop (erf)  }
0xec: {  	v20 =	vadd.f32 v20, v22;
	v60 =	vmul.f32 v32, v32;
	v33 =	vmul.f32 v61, v33  }
0xed: {  	v54 =	vsel vm15, $0xFFFFFF82, v7;
	v30 =	vmul.f32 v30, v45;
	v59 =	vmul.f32 v58, v53  }
0xee: {  	v63 =	vsel vm14, $0xFFFFFF82, v7;
	v41 =	vmul.f32 $1.111111120e-01, v60;
	v43 =	vmul.f32 v33, v33  }
0xef: {  	v26 =	vmul.f32 v51, v26;
	v27 =	vmul.f32 $2.885390040e+00, v27;
	v30 =	vadd.f32 $1.000000000e+00, v30  }
0xf0: {  	v22 =	vadd.f32 $2.000000030e-01, v59;
	v45 =	vadd.f32 $1.428571490e-01, v41;
	v47 =	vmul.f32 $1.111111120e-01, v43  }
0xf1: {  	v62 =	vshra.s32 v39, $0x17;
	v27 =	vadd.f32 v34, v27;
	v30 =	vmul.f32 v30, v31  }
0xf2: {  	v22 =	vmul.f32 v22, v53;
	v31 =	vmul.f32 v45, v60;
	v48 =	vadd.f32 $1.428571490e-01, v47  }
0xf3: {  	v37 =	vadd.s32 v62, v63;
	v20 =	vadd.f32 v20, v26;
	v19 =	vmul.f32 v27, v19  }
0xf4: {  	v22 =	vadd.f32 $3.333333430e-01, v22;
	v50 =	vadd.f32 $2.000000030e-01, v31;
	v51 =	vmul.f32 v48, v43  }
0xf5: {  	v62 =	vshra.s32 v44, $0x17;
	v63 =	vsel vm9, $0xFFFFFF82, v7;
	v19 =	vadd.f32 v20, v19  }
0xf6: {  	v22 =	vmul.f32 v22, v53;
	v52 =	vmul.f32 v50, v60;
	v20 =	vadd.f32 $2.000000030e-01, v51  }
0xf7: {  	v46 =	vcvt.s32.f32 v37;
	v57 =	vshra.s32 v42, $0x17;
	v30 =	vmul.f32 $2.885390040e+00, v30  }
0xf8: {  	v22 =	vadd.f32 $1.000000000e+00, v22;
	v26 =	vadd.f32 $3.333333430e-01, v52;
	v20 =	vmul.f32 v20, v43  }
0xf9: {  	v58 =	vsel vm7, $0xFFFFFF82, v7;
	v49 =	vadd.f32 v46, v30;
	v53 =	vshra.s32 v40, $0x17  }
0xfa: {  	v22 =	vmul.f32 v22, v29;
	v56 =	vmul.f32 v26, v60;
	v20 =	vadd.f32 $3.333333430e-01, v20  }
0xfb: {  	v59 =	vmul.f32 v16, v16;
	v21 =	vmul.f32 v49, v21;
	v27 =	vadd.s32 v53, v54  }
0xfc: {  	v55 =	vmul.f32 $2.885390040e+00, v22;
	v22 =	vadd.f32 $1.000000000e+00, v56;
	v20 =	vmul.f32 v20, v43  }
0xfd: {  	v19 =	vadd.f32 v19, v21;
	v27 =	vcvt.s32.f32 v27;
	v60 =	vadd.f32 v18, v17  }
0xfe: {  	v26 =	vadd.s32 v57, v58;
	v22 =	vmul.f32 v22, v32;
	v20 =	vadd.f32 $1.000000000e+00, v20  }
0xff: {  	v61 =	vcvt.s32.f32 v26;
	v26 =	vadd.s32 v62, v63;
	v16 =	vadd.f32 v59, v60  }
0x100: {  	v21 =	vadd.f32 v27, v55;
	v22 =	vmul.f32 $2.885390040e+00, v22;
	v20 =	vmul.f32 v20, v33  }
0x101: {  	v14 =	vmul.f32 v14, v14;
	v16 =	vadd.f32 v15, v16;
	v32 =	vcvt.s32.f32 v26  }
0x102: {  	v21 =	vmul.f32 v21, v23;
	v22 =	vadd.f32 v61, v22;
	v20 =	vmul.f32 $2.885390040e+00, v20  }
0x103: {  	v26 =	vmul.f32 v13, v13;
	v33 =	vadd.f32 v14, v16  }
0x104: {  	v34 =	vadd.f32 v19, v21;
	v35 =	vmul.f32 v22, v24;
	v20 =	vadd.f32 v32, v20  }
0x105: {  	v21 =	vmul.f32 v12, v12;
	v36 =	vadd.f32 v26, v33  }
0x106: {  	v37 =	vadd.f32 v34, v35;
	v38 =	vmul.f32 v20, v25  }
0x107: {  	v19 =	vmul.f32 v11, v11;
	v11 =	vadd.f32 v21, v36  }
0x108: {  	v39 =	vadd.f32 v37, v38  }
0x109: {  	v11 =	vadd.f32 v19, v11  }
0x10a: {  	(xrf2) =	vadd.scan.msk.f32 $0xffff, v39  }
0x10b: {  	(xrf2) =	vadd.scan.msk.f32 $0xffff, v11;
	_ =	sdelay $0x8  }
0x10c: {  	v11, _, _ =	vpop (xrf2)  }
0x10d: {  	v40, _, _ =	vpop (xrf2)  }
0x10e: {  	v12 =	vadd.f32 $9.999999710e-10, v40;
	_ =	sdelay $0x1  }
0x10f: {  	v12 =	vbroadcast v12, $0xF;
	_ =	sdelay $0x1  }
0x110: {  	(erf) = vrcp.f32 v12;
	_ =	sdelay $0x8  }
0x111: {  	v20 =	vpop (erf)  }
0x112: {  	v13 =	vmul.f32 v20, v17;
	_ =	sdelay $0x1  }
0x113: {  	v17 =	vadd.f32 $9.999999710e-10, v13;
	_ =	sdelay $0x1  }
0x114: {  	v41 =	vand.u32 $0x7FFFFF, v17  }
0x115: {  	v12 =	vor.u32 $0x3F800000, v41  }
0x116: {  	v42 =	vmul.f32 $5.000000000e-01, v12  }
0x117: {  	vm10 =	vge.f32 v12, $1.414213540e+00  }
0x118: {  	v12 =	vsel vm10, v42, v12  }
0x119: {  	v43 =	vadd.f32 $1.000000000e+00, v12;
	_ =	sdelay $0x1  }
0x11a: {  	v16 =	vmul.f32 v20, v18;
	(erf) = vrcp.f32 v43;
	_ =	sdelay $0x1  }
0x11b: {  	v18 =	vmul.f32 v20, v59;
	v44 =	vadd.f32 $9.999999710e-10, v16;
	_ =	sdelay $0x1  }
0x11c: {  	v25 =	vadd.f32 $9.999999710e-10, v18;
	v45 =	vand.u32 $0x7FFFFF, v44  }
0x11d: {  	v23 =	vor.u32 $0x3F800000, v45  }
0x11e: {  	v47 =	vand.u32 $0x7FFFFF, v25;
	v46 =	vmul.f32 $5.000000000e-01, v23  }
0x11f: {  	v24 =	vor.u32 $0x3F800000, v47;
	vm11 =	vge.f32 v23, $1.414213540e+00  }
0x120: {  	v49 =	vmul.f32 $5.000000000e-01, v24;
	v23 =	vsel vm11, v46, v23;
	v12 =	vadd.f32 $-1.000000000e+00, v12  }
0x121: {  	vm3 =	vge.f32 v24, $1.414213540e+00;
	v48 =	vadd.f32 $1.000000000e+00, v23;
	v50 =	vpop (erf)  }
0x122: {  	v24 =	vsel vm3, v49, v24;
	v51 =	vmul.f32 v50, v12  }
0x123: {  	v52 =	vadd.f32 $1.000000000e+00, v24;
	(erf) = vrcp.f32 v48  }
0x124: {  	v53 =	vmul.f32 v51, v51  }
0x125: {  	(erf) = vrcp.f32 v52  }
0x126: {  	v54 =	vmul.f32 $1.111111120e-01, v53;
	_ =	sdelay $0x1  }
0x127: {  	v12 =	vadd.f32 $1.428571490e-01, v54;
	_ =	sdelay $0x1  }
0x128: {  	v55 =	vmul.f32 v12, v53  }
0x129: {  	v23 =	vadd.f32 $-1.000000000e+00, v23  }
0x12a: {  	v56 =	vpop (erf);
	v57 =	vadd.f32 $2.000000030e-01, v55  }
0x12b: {  	v24 =	vadd.f32 $-1.000000000e+00, v24;
	v23 =	vmul.f32 v56, v23  }
0x12c: {  	v59 =	vpop (erf);
	v12 =	vmul.f32 v20, v15;
	v15 =	vmul.f32 v57, v53  }
0x12d: {  	v24 =	vmul.f32 v59, v24;
	v58 =	vmul.f32 v23, v23  }
0x12e: {  	v17 =	vshra.s32 v17, $0x17;
	v15 =	vadd.f32 $3.333333430e-01, v15  }
0x12f: {  	v38 =	vsel vm10, $0xFFFFFF82, v7;
	v62 =	vmul.f32 v24, v24;
	v60 =	vmul.f32 $1.111111120e-01, v58  }
0x130: {  	v17 =	vadd.s32 v17, v38;
	v30 =	vadd.f32 $9.999999710e-10, v12;
	v15 =	vmul.f32 v15, v53  }
0x131: {  	v46 =	vsel vm11, $0xFFFFFF82, v7;
	v37 =	vmul.f32 $1.111111120e-01, v62;
	v32 =	vadd.f32 $1.428571490e-01, v60  }
0x132: {  	v17 =	vcvt.s32.f32 v17;
	v61 =	vand.u32 $0x7FFFFF, v30;
	v15 =	vadd.f32 $1.000000000e+00, v15  }
0x133: {  	v36 =	vmul.f32 v32, v58;
	v32 =	vadd.f32 $1.428571490e-01, v37;
	v31 =	vor.u32 $0x3F800000, v61  }
0x134: {  	v43 =	vshra.s32 v44, $0x17;
	v63 =	vmul.f32 $5.000000000e-01, v31;
	v15 =	vmul.f32 v15, v51  }
0x135: {  	v28 =	vadd.f32 $2.000000030e-01, v36;
	v40 =	vmul.f32 v32, v62;
	vm12 =	vge.f32 v31, $1.414213540e+00  }
0x136: {  	v22 =	vadd.s32 v43, v46;
	v31 =	vsel vm12, v63, v31;
	v15 =	vmul.f32 $2.885390040e+00, v15  }
0x137: {  	v39 =	vmul.f32 v28, v58;
	v28 =	vadd.f32 $2.000000030e-01, v40;
	v34 =	vadd.f32 $1.000000000e+00, v31  }
0x138: {  	v25 =	vshra.s32 v25, $0x17;
	v22 =	vcvt.s32.f32 v22;
	v15 =	vadd.f32 v17, v15  }
0x139: {  	v27 =	vadd.f32 $3.333333430e-01, v39;
	v42 =	vmul.f32 v28, v62;
	(erf) = vrcp.f32 v34  }
0x13a: {  	v52 =	vsel vm3, $0xFFFFFF82, v7;
	v28 =	vmul.f32 v15, v13;
	v13 =	vmul.f32 v20, v14  }
0x13b: {  	v41 =	vmul.f32 v27, v58;
	v45 =	vadd.f32 $3.333333430e-01, v42;
	v47 =	vadd.f32 $-1.000000000e+00, v31  }
0x13c: {  	v17 =	vmul.f32 v20, v19;
	v14 =	vmul.f32 v20, v26;
	v29 =	vadd.f32 $9.999999710e-10, v13  }
0x13d: {  	v44 =	vadd.f32 $1.000000000e+00, v41;
	v49 =	vmul.f32 v45, v62;
	v15 =	vmul.f32 v20, v21  }
0x13e: {  	v37 =	vadd.f32 $9.999999710e-10, v17;
	v31 =	vadd.f32 $9.999999710e-10, v14;
	v50 =	vand.u32 $0x7FFFFF, v29  }
0x13f: {  	v23 =	vmul.f32 v44, v23;
	v35 =	vadd.f32 $9.999999710e-10, v15;
	v51 =	vor.u32 $0x3F800000, v50  }
0x140: {  	v60 =	vand.u32 $0x7FFFFF, v37;
	v54 =	vand.u32 $0x7FFFFF, v31;
	v53 =	vmul.f32 $5.000000000e-01, v51  }
0x141: {  	v57 =	vand.u32 $0x7FFFFF, v35;
	v34 =	vor.u32 $0x3F800000, v54;
	vm13 =	vge.f32 v51, $1.414213540e+00  }
0x142: {  	v36 =	vor.u32 $0x3F800000, v57;
	v56 =	vmul.f32 $5.000000000e-01, v34;
	v33 =	vsel vm13, v53, v51  }
0x143: {  	v48 =	vpop (erf);
	vm14 =	vge.f32 v34, $1.414213540e+00;
	v59 =	vmul.f32 $5.000000000e-01, v36;
	v55 =	vadd.f32 $1.000000000e+00, v33  }
0x144: {  	v27 =	vmul.f32 v48, v47;
	vm15 =	vge.f32 v36, $1.414213540e+00;
	v58 =	vsel vm14, v56, v34  }
0x145: {  	v20 =	vsel vm15, v59, v36;
	v34 =	vadd.f32 $1.000000000e+00, v58;
	(erf) = vrcp.f32 v55  }
0x146: {  	v62 =	vor.u32 $0x3F800000, v60;
	v32 =	vmul.f32 v27, v27;
	v63 =	vadd.f32 $1.000000000e+00, v20  }
0x147: {  	v26 =	vadd.f32 $1.000000000e+00, v49;
	v38 =	vmul.f32 $5.000000000e-01, v62;
	(erf) = vrcp.f32 v34  }
0x148: {  	vm3 =	vge.f32 v62, $1.414213540e+00;
	v61 =	vmul.f32 $1.111111120e-01, v32;
	(erf) = vrcp.f32 v63  }
0x149: {  	v23 =	vmul.f32 $2.885390040e+00, v23;
	v24 =	vmul.f32 v26, v24;
	v41 =	vsel vm3, v38, v62  }
0x14a: {  	v21 =	vadd.s32 v25, v52;
	v36 =	vadd.f32 $1.000000000e+00, v41;
	v39 =	vadd.f32 $1.428571490e-01, v61  }
0x14b: {  	v22 =	vadd.f32 v22, v23;
	v21 =	vcvt.s32.f32 v21;
	v46 =	vmul.f32 $2.885390040e+00, v24  }
0x14c: {  	v42 =	vmul.f32 v39, v32;
	(erf) = vrcp.f32 v36  }
0x14d: {  	v16 =	vmul.f32 v22, v16;
	v47 =	vadd.f32 $0.0e+00, v28;
	v44 =	vadd.f32 $-1.000000000e+00, v33  }
0x14e: {  	v21 =	vadd.f32 v21, v46;
	v43 =	vadd.f32 $2.000000030e-01, v42;
	v45 =	vpop (erf)  }
0x14f: {  	v16 =	vadd.f32 v47, v16;
	v19 =	vadd.f32 $-1.000000000e+00, v58;
	v26 =	vmul.f32 v45, v44  }
0x150: {  	v18 =	vmul.f32 v21, v18;
	v20 =	vadd.f32 $-1.000000000e+00, v20;
	v25 =	vmul.f32 v43, v32;
	v48 =	vpop (erf)  }
0x151: {  	v51 =	vsel vm12, $0xFFFFFF82, v7;
	v19 =	vmul.f32 v48, v19;
	v52 =	vpop (erf);
	v50 =	vmul.f32 v26, v26  }
0x152: {  	v56 =	vadd.f32 $-1.000000000e+00, v41;
	v49 =	vadd.f32 $3.333333430e-01, v25;
	v20 =	vmul.f32 v52, v20  }
0x153: {  	v55 =	vshra.s32 v30, $0x17;
	v54 =	vmul.f32 v19, v19;
	v53 =	vmul.f32 $1.111111120e-01, v50  }
0x154: {  	v16 =	vadd.f32 v16, v18;
	v21 =	vadd.s32 v55, v51;
	v22 =	vmul.f32 v49, v32  }
0x155: {  	v59 =	vpop (erf);
	v58 =	vmul.f32 v20, v20;
	v57 =	vmul.f32 $1.111111120e-01, v54;
	v28 =	vadd.f32 $1.428571490e-01, v53  }
0x156: {  	v21 =	vcvt.s32.f32 v21;
	v22 =	vadd.f32 $1.000000000e+00, v22;
	v61 =	vmul.f32 v59, v56  }
0x157: {  	v63 =	vmul.f32 $1.111111120e-01, v58;
	v62 =	vadd.f32 $1.428571490e-01, v57;
	v60 =	vmul.f32 v28, v50  }
0x158: {  	v42 =	vsel vm13, $0xFFFFFF82, v7;
	v22 =	vmul.f32 v22, v27;
	v36 =	vmul.f32 v61, v61  }
0x159: {  	v30 =	vadd.f32 $1.428571490e-01, v63;
	v27 =	vmul.f32 v62, v54;
	v23 =	vadd.f32 $2.000000030e-01, v60  }
0x15a: {  	v49 =	vshra.s32 v29, $0x17;
	v22 =	vmul.f32 $2.885390040e+00, v22;
	v39 =	vmul.f32 $1.111111120e-01, v36  }
0x15b: {  	v41 =	vmul.f32 v30, v58;
	v40 =	vadd.f32 $2.000000030e-01, v27;
	v38 =	vmul.f32 v23, v50  }
0x15c: {  	v24 =	vadd.s32 v49, v42;
	v21 =	vadd.f32 v21, v22;
	v23 =	vadd.f32 $1.428571490e-01, v39  }
0x15d: {  	v44 =	vadd.f32 $2.000000030e-01, v41;
	v43 =	vmul.f32 v40, v54;
	v18 =	vadd.f32 $3.333333430e-01, v38  }
0x15e: {  	v45 =	vsel vm14, $0xFFFFFF82, v7;
	v12 =	vmul.f32 v21, v12;
	v23 =	vmul.f32 v23, v36  }
0x15f: {  	v47 =	vmul.f32 v44, v58;
	v46 =	vadd.f32 $3.333333430e-01, v43;
	v18 =	vmul.f32 v18, v50  }
0x160: {  	v24 =	vcvt.s32.f32 v24;
	v12 =	vadd.f32 v16, v12;
	v23 =	vadd.f32 $2.000000030e-01, v23  }
0x161: {  	v21 =	vadd.f32 $3.333333430e-01, v47;
	v16 =	vmul.f32 v46, v54;
	v18 =	vadd.f32 $1.000000000e+00, v18  }
0x162: {  	v48 =	vsel vm15, $0xFFFFFF82, v7;
	v50 =	vshra.s32 v31, $0x17;
	v23 =	vmul.f32 v23, v36  }
0x163: {  	v21 =	vmul.f32 v21, v58;
	v16 =	vadd.f32 $1.000000000e+00, v16;
	v18 =	vmul.f32 v18, v26  }
0x164: {  	v56 =	vshra.s32 v37, $0x17;
	v25 =	vadd.s32 v50, v45;
	v23 =	vadd.f32 $3.333333430e-01, v23  }
0x165: {  	v51 =	vadd.f32 $1.000000000e+00, v21;
	v16 =	vmul.f32 v16, v19;
	v18 =	vmul.f32 $2.885390040e+00, v18  }
0x166: {  	v53 =	vshra.s32 v35, $0x17;
	v52 =	vcvt.s32.f32 v25;
	v23 =	vmul.f32 v23, v36  }
0x167: {  	v19 =	vmul.f32 v51, v20;
	v16 =	vmul.f32 $2.885390040e+00, v16;
	v18 =	vadd.f32 v24, v18  }
0x168: {  	v57 =	vsel vm3, $0xFFFFFF82, v7;
	v54 =	vadd.s32 v53, v48;
	v55 =	vadd.f32 $1.000000000e+00, v23  }
0x169: {  	v19 =	vmul.f32 $2.885390040e+00, v19;
	v16 =	vadd.f32 v52, v16;
	v13 =	vmul.f32 v18, v13  }
0x16a: {  	v59 =	vadd.s32 v56, v57;
	v18 =	vcvt.s32.f32 v54;
	v20 =	vmul.f32 v55, v61  }
0x16b: {  	v58 =	vmul.f32 v16, v14;
	v14 =	vcvt.s32.f32 v59  }
0x16c: {  	v12 =	vadd.f32 v12, v13;
	v60 =	vadd.f32 v18, v19;
	v61 =	vmul.f32 $2.885390040e+00, v20;
	_ =	sdelay $0x1  }
0x16d: {  	v12 =	vadd.f32 v12, v58;
	v62 =	vmul.f32 v60, v15;
	v14 =	vadd.f32 v14, v61;
	_ =	sdelay $0x1  }
0x16e: {  	v12 =	vadd.f32 v12, v62;
	v63 =	vmul.f32 v14, v17;
	_ =	sdelay $0x1  }
0x16f: {  	v12 =	vadd.f32 v12, v63;
	_ =	sdelay $0x1  }
0x170: {  	(xrf2) =	vadd.scan.msk.f32 $0xffff, v12;
	_ =	sdelay $0x8  }
0x171: {  	(v2sf) =	vpush v11, $0xF  }
0x172: {  	v11, _, _ =	vpop (xrf2)  }
0x173: {  	(v2sf) =	vpush v11, $0xF;
	_ =	sdelay $0xc  }
0x174: {  	s28 =	spop (v2sf)  }
0x175: {  	s28 =	ssub.f32 $0.0e+00, s28  }
0x176: {  	s29 =	spop (v2sf)  }
0x177: {  	s28 =	sadd.f32 s28, s29;
	_ =	sdelay $0x1  }
0x178: {  	s28 =	sadd.f32 $5.000000000e-01, s28  }
.Ltmp7:
0x179: {  	_ = 	snop;
	(pc) =	sbr.rel .LBB2_7-.Ltmp7, $3  }
0x17a: {  	s28 =	smax.f32 s28, $0.0e+00  }
0x17b: {  	s26 =	smul.f32 s28, s26;
	_ =	sdelay $0x1  }
0x17c: {  	s21 =	sadd.f32 s26, s21  }
.LBB2_9:
0x17d: {  	_ =	sfence.sel $0x180000  }
0x17e: {  	[bflag:$0x0] =	sbarrier.arrive $0xFFFF  }
0x17f: {  	p0 =	sne.s32 s3, $0x0;
	_ =	strace $0x90000047  }
0x180: {  	s0 =	sadd.s32 @!p0 $0x100000, s0;
	[bflag:$0x2] =	sbarrier.arrive $0xFFFF  }
0x181: {  	[sflag:s0] =	ssyncadd.tile.s32 @!p0 $0x1;
	_ =	shalt  }
.Lfunc_end2:
_tile_overlayer_lowered:
.L_overlay_start_2:
0x182: {  	(tag) =	ssettag $0x2  }
0x183: {  	s0 =	rddreg [dreg:$0x0];
	s2 =	stileid.u32  }
0x184: {  	s1 =	rddreg [dreg:$0x1];
	p0 =	sne.s32 s2, $0x0  }
0x185: {  	s3 =	rddreg [dreg:$0x2];
	[bflag:$0x3] =	sbarrier.arrive $0xFFFF;
	s2 =	simm.s32 @!p0 $0x1C02  }
0x186: {  	[timem:s3], [sflag:s2] =	dma.local @!p0 [hbm:s0], s1  }
0x187: {  	s0 =	simm.s32 @!p0 $0x2  }
0x188: {  	_ =	swait.ge @!p0 [sflag:s0], s1  }
0x189: {  	s1 =	ssub.s32 @!p0 $0x0, s1;
	[sflag:s0] =	ssyncset.done @!p0 $0x0  }
0x18a: {  	[sflag:s0] =	ssyncadd.s32 @!p0 s1  }
0x18b: {  	[bflag:$0x3] =	sbarrier.arrive $0xFFFF  }
0x18c: {  	_ =	shalt  }

</sc_bundles>
